<compile_context>
chip_gen: v7x
topology: tpu7x:2x2x1
jax: 0.10.2.dev20260603
libtpu: 0.0.44.dev20260713+nightly
codegen_flags: <defaults>
</compile_context>

<pallas_src>
import functools

import jax
import jax.numpy as jnp
from jax import lax
from jax.experimental import pallas as pl
from jax.experimental.pallas import tpu as pltpu
from jax.experimental.pallas import tpu_sc as plsc

_H = 224
_W = 224
_PH = _H + 2
_PWD = _W + 2
_PPB = _H * _W
_PIMG = _PH * _PWD
_NB = 4
_NC = 96
_ROWS = _NB * _PIMG
_PXW = _PPB // 8
_PX = 128
_NCHK = _PXW // _PX


def _pad_body(x_ref, o_ref):
    x = x_ref[0]
    rows = jnp.concatenate([x[:, :1], x, x[:, -1:]], axis=1)
    o_ref[0] = jnp.concatenate([rows[:, :, :1], rows, rows[:, :, -1:]], axis=2)


def _pad(input1):
    cb = 8
    return pl.pallas_call(
        _pad_body,
        grid=(_NB, _NC // cb),
        in_specs=[pl.BlockSpec((1, cb, _H, _W), lambda b, c: (b, c, 0, 0))],
        out_specs=pl.BlockSpec((1, cb, _PH, _PWD), lambda b, c: (b, c, 0, 0)),
        out_shape=jax.ShapeDtypeStruct((_NB, _NC, _PH, _PWD), jnp.float32),
    )(input1)


def _prep_body(d_ref, jall, wall):
    d = d_ref[...]
    dh = d[:, 0]
    dw = d[:, 1]
    y = lax.broadcasted_iota(jnp.int32, (_NB, _H, _W), 1).astype(jnp.float32)
    x = lax.broadcasted_iota(jnp.int32, (_NB, _H, _W), 2).astype(jnp.float32)
    h_up = dh + y + 1.0
    w_up = dw + x + 1.0
    hf = jnp.floor(h_up).astype(jnp.int32)
    wf = jnp.floor(w_up).astype(jnp.int32)
    hc = jnp.clip(hf + 1, 0, _PH - 1)
    wc = jnp.clip(wf + 1, 0, _PWD - 1)
    hf = jnp.clip(hf, 0, _PH - 1)
    wf = jnp.clip(wf, 0, _PWD - 1)
    b = lax.broadcasted_iota(jnp.int32, (_NB, _H, _W), 0) * _PIMG
    jall[:, 0] = b + hf * _PWD + wf
    jall[:, 1] = b + hf * _PWD + wc
    jall[:, 2] = b + hc * _PWD + wf
    jall[:, 3] = b + hc * _PWD + wc
    dhw = hc.astype(jnp.float32) - h_up
    dww = wc.astype(jnp.float32) - w_up
    wall[:, 0] = dhw * dww
    wall[:, 1] = dhw * (1.0 - dww)
    wall[:, 2] = (1.0 - dhw) * dww
    wall[:, 3] = (1.0 - dww) * (1.0 - dhw)


def _prepare(input2):
    return pl.pallas_call(
        _prep_body,
        out_shape=(jax.ShapeDtypeStruct((_NB, 4, _H, _W), jnp.int32),
                   jax.ShapeDtypeStruct((_NB, 4, _H, _W), jnp.float32)),
    )(input2)


def _splat(vec, i):
    idx = jnp.zeros((16,), jnp.int32) + i
    return lax.gather(
        vec, idx[:, None],
        lax.GatherDimensionNumbers(offset_dims=(), collapsed_slice_dims=(0,),
                                   start_index_map=(0,)),
        slice_sizes=(1,),
        mode=lax.GatherScatterMode.PROMISE_IN_BOUNDS)


def _blend(wv, t0, t1, t2, t3, ocm):
    def gblock(g, _):
        s = pl.multiple_of(g * 16, 16)
        w00v = wv[0, pl.ds(s, 16)]
        w10v = wv[1, pl.ds(s, 16)]
        w01v = wv[2, pl.ds(s, 16)]
        w11v = wv[3, pl.ds(s, 16)]

        def pstep(i, _):
            p = s + i
            s00 = _splat(w00v, i)
            s10 = _splat(w10v, i)
            s01 = _splat(w01v, i)
            s11 = _splat(w11v, i)
            for cg in range(_NC // 16):
                cs = cg * 16
                acc = (t0[p, pl.ds(cs, 16)] * s00
                       + t1[p, pl.ds(cs, 16)] * s10
                       + t2[p, pl.ds(cs, 16)] * s01
                       + t3[p, pl.ds(cs, 16)] * s11)
                ocm[p, pl.ds(cs, 16)] = acc
            return 0

        lax.fori_loop(0, 16, pstep, 0)
        return 0

    lax.fori_loop(0, _PX // 16, gblock, 0)


def _warp_body(table, jh, wh, out_hbm,
               jva, jvb, wva, wvb,
               ta0, ta1, ta2, ta3, tb0, tb1, tb2, tb3,
               ocma, ocmb,
               sja, swa, sjb, swb,
               sa0, sa1, sa2, sa3, sb0, sb1, sb2, sb3):
    wid = lax.axis_index("s") * 2 + lax.axis_index("c")
    b = wid // 8
    pb0 = (wid % 8) * _PXW

    def sb_start(c, jv, wv, sj, sw):
        p0 = pb0 + c * _PX
        cj = pltpu.async_copy(jh.at[b, :, pl.ds(p0, _PX)], jv, sj)
        cw = pltpu.async_copy(wh.at[b, :, pl.ds(p0, _PX)], wv, sw)
        return cj, cw

    def gathers(jv, ts, sems):
        return [pltpu.async_copy(table.at[jv.at[t]], ts[t], sems[t])
                for t in range(4)]

    def out_copy(c, ocm):
        p0 = pb0 + c * _PX
        pltpu.sync_copy(ocm, out_hbm.at[b, pl.ds(p0, _PX), :])

    cj, cw = sb_start(0, jva, wva, sja, swa)
    cj.wait()
    cw.wait()

    def body(kk, _):
        ca = 2 * kk
        ga = gathers(jva, (ta0, ta1, ta2, ta3), (sa0, sa1, sa2, sa3))
        cjb, cwb = sb_start(ca + 1, jvb, wvb, sjb, swb)
        cjb.wait()
        cwb.wait()
        gb = gathers(jvb, (tb0, tb1, tb2, tb3), (sb0, sb1, sb2, sb3))
        for g in ga:
            g.wait()
        _blend(wva, ta0, ta1, ta2, ta3, ocma)
        out_copy(ca, ocma)
        cja, cwa = sb_start(ca + 2, jva, wva, sja, swa)
        for g in gb:
            g.wait()
        _blend(wvb, tb0, tb1, tb2, tb3, ocmb)
        out_copy(ca + 1, ocmb)
        cja.wait()
        cwa.wait()
        return 0

    lax.fori_loop(0, (_NCHK - 1) // 2, body, 0)

    ga = gathers(jva, (ta0, ta1, ta2, ta3), (sa0, sa1, sa2, sa3))
    for g in ga:
        g.wait()
    _blend(wva, ta0, ta1, ta2, ta3, ocma)
    out_copy(_NCHK - 1, ocma)


def _warp_sc(table, jall, wall):
    mesh = plsc.VectorSubcoreMesh(core_axis_name="c", subcore_axis_name="s")
    tap = pltpu.VMEM((_PX, _NC), jnp.float32)
    f = functools.partial(
        pl.kernel,
        mesh=mesh,
        compiler_params=pltpu.CompilerParams(use_tc_tiling_on_sc=False),
        out_type=jax.ShapeDtypeStruct((_NB, _PPB, _NC), jnp.float32),
        scratch_types=[
            pltpu.VMEM((4, _PX), jnp.int32),
            pltpu.VMEM((4, _PX), jnp.int32),
            pltpu.VMEM((4, _PX), jnp.float32),
            pltpu.VMEM((4, _PX), jnp.float32),
            tap, tap, tap, tap, tap, tap, tap, tap,
            pltpu.VMEM((_PX, _NC), jnp.float32),
            pltpu.VMEM((_PX, _NC), jnp.float32),
        ] + [pltpu.SemaphoreType.DMA] * 12,
    )(_warp_body)
    return f(table, jall, wall)


_TT = 896


def _tr_body(x_ref, o_ref):
    o_ref[0] = jnp.swapaxes(x_ref[0], 0, 1)


def _to_channel_major(out_pm):
    return pl.pallas_call(
        _tr_body,
        grid=(_NB, _PPB // _TT),
        in_specs=[pl.BlockSpec((1, _TT, _NC), lambda b, t: (b, t, 0))],
        out_specs=pl.BlockSpec((1, _NC, _TT), lambda b, t: (b, 0, t)),
        out_shape=jax.ShapeDtypeStruct((_NB, _NC, _PPB), jnp.float32),
    )(out_pm)


def kernel(input1, input2):
    padbuf = _pad(input1)
    table = padbuf.reshape(_ROWS, _NC)
    jall, wall = _prepare(input2)
    out_pm = _warp_sc(table,
                      jall.reshape(_NB, 4, _PPB),
                      wall.reshape(_NB, 4, _PPB))
    return _to_channel_major(out_pm).reshape(_NB, _NC, _H, _W)

# --- scband reference (transcript-rebuilt; emitter-appended) ---
"""Pipeline reference for scband-dense2-dspatial-transformer-16269336117379 (READ-ONLY COPY).

The authoritative reference and input builder live on the scoring server;
editing this copy changes nothing except your own understanding.
"""

import jax, jax.numpy as jnp
import numpy as np


def setup_inputs(seed: int = 0) -> dict:
    key = jax.random.key(seed)
    k1, k2 = jax.random.split(key)
    input1 = jax.random.normal(k1, (4, 96, 224, 224), dtype=jnp.float32)
    input2 = jax.random.normal(k2, (4, 2, 224, 224), dtype=jnp.float32)
    return {"input1": input1, "input2": input2}


def _warp(input1, input2):
    dHeight = input2[:, 0]
    dWidth = input2[:, 1]
    nbatch, nch, height, width = input1.shape
    # meshgrid (faithful to torch matmul construction)
    h_t = jnp.matmul(jnp.linspace(0.0, height - 1.0, height)[:, None], jnp.ones((1, width)))
    w_t = jnp.matmul(jnp.ones((height, 1)), jnp.linspace(0.0, width - 1.0, width)[None, :])
    H_mesh = jnp.broadcast_to(h_t[None], (nbatch, height, width))
    W_mesh = jnp.broadcast_to(w_t[None], (nbatch, height, width))
    H_upmesh = dHeight + H_mesh
    W_upmesh = dWidth + W_mesh
    # replicate-pad image by 1 pixel on each side (faithful to manual padding)
    img = jnp.zeros((nbatch, nch, height + 2, width + 2), dtype=jnp.float32)
    img = img.at[:, :, 1:-1, 1:-1].set(input1)
    img = img.at[:, :, 0, 1:-1].set(input1[:, :, 0, :])
    img = img.at[:, :, -1, 1:-1].set(input1[:, :, -1, :])
    img = img.at[:, :, 1:-1, 0].set(input1[:, :, :, 0])
    img = img.at[:, :, 1:-1, -1].set(input1[:, :, :, -1])
    img = img.at[:, :, 0, 0].set(input1[:, :, 0, 0])
    img = img.at[:, :, 0, -1].set(input1[:, :, 0, -1])
    img = img.at[:, :, -1, 0].set(input1[:, :, -1, 0])
    img = img.at[:, :, -1, -1].set(input1[:, :, -1, -1])
    imgHgt = height + 2
    imgWdt = width + 2
    H_up = H_upmesh.reshape(-1).astype(jnp.float32) + 1.0
    W_up = W_upmesh.reshape(-1).astype(jnp.float32) + 1.0
    hf = jnp.floor(H_up).astype(jnp.int32)
    hc = hf + 1
    wf = jnp.floor(W_up).astype(jnp.int32)
    wc = wf + 1
    hf = jnp.clip(hf, 0, imgHgt - 1)
    hc = jnp.clip(hc, 0, imgHgt - 1)
    wf = jnp.clip(wf, 0, imgWdt - 1)
    wc = jnp.clip(wc, 0, imgWdt - 1)
    rep = jnp.ones((height * width,))[None, :]
    bHW = jnp.matmul((jnp.arange(0, nbatch).astype(jnp.float32) * imgHgt * imgWdt)[:, None], rep).reshape(-1).astype(jnp.int32)
    Wd = imgWdt
    idx_00 = bHW + hf * Wd + wf
    idx_10 = bHW + hf * Wd + wc
    idx_01 = bHW + hc * Wd + wf
    idx_11 = bHW + hc * Wd + wc
    img_flat = img.reshape(-1, nch).astype(jnp.float32)
    val_00 = jnp.take(img_flat, idx_00, axis=0)
    val_10 = jnp.take(img_flat, idx_10, axis=0)
    val_01 = jnp.take(img_flat, idx_01, axis=0)
    val_11 = jnp.take(img_flat, idx_11, axis=0)
    dH = hc.astype(jnp.float32) - H_up
    dW = wc.astype(jnp.float32) - W_up
    wgt_00 = (dH * dW)[:, None]
    wgt_10 = (dH * (1 - dW))[:, None]
    wgt_01 = ((1 - dH) * dW)[:, None]
    wgt_11 = ((1 - dW) * (1 - dH))[:, None]
    output = val_00 * wgt_00 + val_10 * wgt_10 + val_01 * wgt_01 + val_11 * wgt_11
    output = output.reshape(nbatch, height, width, nch).transpose(0, 3, 1, 2)
    return output


def reference(input1, input2):
    return _warp(input1, input2)

if __name__ == "__main__":
    import jax
    _d = setup_inputs()
    print(jax.jit(kernel)(*tuple(_d.values())))

</pallas_src>

<mosaic_0001>
#map = affine_map<(d0, d1) -> (0, 0)>
#map1 = affine_map<(d0, d1) -> (0, 0, 0)>
module attributes {stable_mosaic.version = 14 : i64} {
  func.func @_warp_body(%arg0: i32, %arg1: i32, %arg2: memref<204304x96xf32, #tpu.memory_space<hbm>>, %arg3: memref<4x4x50176xi32, #tpu.memory_space<hbm>>, %arg4: memref<4x4x50176xf32, #tpu.memory_space<hbm>>, %arg5: memref<4x50176x96xf32, #tpu.memory_space<hbm>>, %arg6: memref<4x128xi32, #tpu.memory_space<vmem>>, %arg7: memref<4x128xi32, #tpu.memory_space<vmem>>, %arg8: memref<4x128xf32, #tpu.memory_space<vmem>>, %arg9: memref<4x128xf32, #tpu.memory_space<vmem>>, %arg10: memref<128x96xf32, #tpu.memory_space<vmem>>, %arg11: memref<128x96xf32, #tpu.memory_space<vmem>>, %arg12: memref<128x96xf32, #tpu.memory_space<vmem>>, %arg13: memref<128x96xf32, #tpu.memory_space<vmem>>, %arg14: memref<128x96xf32, #tpu.memory_space<vmem>>, %arg15: memref<128x96xf32, #tpu.memory_space<vmem>>, %arg16: memref<128x96xf32, #tpu.memory_space<vmem>>, %arg17: memref<128x96xf32, #tpu.memory_space<vmem>>, %arg18: memref<128x96xf32, #tpu.memory_space<vmem>>, %arg19: memref<128x96xf32, #tpu.memory_space<vmem>>, %arg20: memref<!tpu.dma_semaphore, #tpu.memory_space<semaphore_mem>>, %arg21: memref<!tpu.dma_semaphore, #tpu.memory_space<semaphore_mem>>, %arg22: memref<!tpu.dma_semaphore, #tpu.memory_space<semaphore_mem>>, %arg23: memref<!tpu.dma_semaphore, #tpu.memory_space<semaphore_mem>>, %arg24: memref<!tpu.dma_semaphore, #tpu.memory_space<semaphore_mem>>, %arg25: memref<!tpu.dma_semaphore, #tpu.memory_space<semaphore_mem>>, %arg26: memref<!tpu.dma_semaphore, #tpu.memory_space<semaphore_mem>>, %arg27: memref<!tpu.dma_semaphore, #tpu.memory_space<semaphore_mem>>, %arg28: memref<!tpu.dma_semaphore, #tpu.memory_space<semaphore_mem>>, %arg29: memref<!tpu.dma_semaphore, #tpu.memory_space<semaphore_mem>>, %arg30: memref<!tpu.dma_semaphore, #tpu.memory_space<semaphore_mem>>, %arg31: memref<!tpu.dma_semaphore, #tpu.memory_space<semaphore_mem>>) attributes {dimension_semantics = [#tpu.dimension_semantics<core_parallel>, #tpu.dimension_semantics<subcore_parallel>], iteration_bounds = array<i64: 2, 16>, scalar_prefetch = 0 : i64, scratch_operands = 26 : i64, tpu.core_type = #tpu.core_type<sc_vector_subcore>, window_params = [{transform_indices = #map}, {transform_indices = #map1}, {transform_indices = #map1}, {transform_indices = #map1}]} {
    %mul3A = arith.constant 2 : i32
    %mul3A_0 = arith.muli %arg1, %mul3A : i32
    %add3A = arith.addi %mul3A_0, %arg0 : i32
    %jit3A = arith.constant 8 : i32
    %div3A = arith.divsi %add3A, %jit3A : i32
    %sign3A = arith.constant 0 : i32
    %sign3A_1 = arith.cmpi sgt, %add3A, %sign3A : i32
    %sign3A_2 = arith.extui %sign3A_1 : i1 to i32
    %sign3A_3 = arith.constant 0 : i32
    %sign3A_4 = arith.cmpi slt, %add3A, %sign3A_3 : i32
    %sign3A_5 = arith.extui %sign3A_4 : i1 to i32
    %sign3A_6 = arith.subi %sign3A_2, %sign3A_5 : i32
    %sign3A_7 = arith.constant 0 : i32
    %sign3A_8 = arith.cmpi sgt, %jit3A, %sign3A_7 : i32
    %sign3A_9 = arith.extui %sign3A_8 : i1 to i32
    %sign3A_10 = arith.constant 0 : i32
    %sign3A_11 = arith.cmpi slt, %jit3A, %sign3A_10 : i32
    %sign3A_12 = arith.extui %sign3A_11 : i1 to i32
    %sign3A_13 = arith.subi %sign3A_9, %sign3A_12 : i32
    %ne3A = arith.cmpi ne, %sign3A_6, %sign3A_13 : i32
    %rem3A = arith.remsi %add3A, %jit3A : i32
    %ne3A_14 = arith.constant 0 : i32
    %ne3A_15 = arith.cmpi ne, %rem3A, %ne3A_14 : i32
    %and3A = arith.andi %ne3A, %ne3A_15 : i1
    %sub3A = arith.constant 1 : i32
    %sub3A_16 = arith.subi %div3A, %sub3A : i32
    %select_n3A = arith.select %and3A, %sub3A_16, %div3A : i32
    %jit3A_17 = arith.constant 8 : i32
    %eq3A = arith.constant 0 : i32
    %eq3A_18 = arith.cmpi eq, %jit3A_17, %eq3A : i32
    %jit3A_19 = arith.constant 1 : i32
    %select_n3A_20 = arith.select %eq3A_18, %jit3A_19, %jit3A_17 : i32
    %rem3A_21 = arith.remsi %add3A, %select_n3A_20 : i32
    %ne3A_22 = arith.constant 0 : i32
    %ne3A_23 = arith.cmpi ne, %rem3A_21, %ne3A_22 : i32
    %lt3A = arith.constant 0 : i32
    %lt3A_24 = arith.cmpi slt, %rem3A_21, %lt3A : i32
    %lt3A_25 = arith.constant 0 : i32
    %lt3A_26 = arith.cmpi slt, %select_n3A_20, %lt3A_25 : i32
    %ne3A_27 = arith.xori %lt3A_24, %lt3A_26 : i1
    %and3A_28 = arith.andi %ne3A_27, %ne3A_23 : i1
    %add3A_29 = arith.addi %rem3A_21, %select_n3A_20 : i32
    %select_n3A_30 = arith.select %and3A_28, %add3A_29, %rem3A_21 : i32
    %mul3A_31 = arith.constant 6272 : i32
    %mul3A_32 = arith.muli %select_n3A_30, %mul3A_31 : i32
    %add3A_33 = arith.constant 0 : i32
    %add3A_34 = arith.addi %mul3A_32, %add3A_33 : i32
    %dma_start3A = arith.constant 0 : i32
    %dma_start3A_35 = tpu.memref_slice %arg3[%select_n3A, %dma_start3A, %add3A_34] : memref<4x4x50176xi32, #tpu.memory_space<hbm>> -> memref<1x4x128xi32, #tpu.memory_space<hbm>>
    %dma_start3A_36 = tpu.memref_squeeze %dma_start3A_35 : memref<1x4x128xi32, #tpu.memory_space<hbm>> -> memref<4x128xi32, #tpu.memory_space<hbm>>
    %dma_start3A_37 = arith.constant 0 : i32
    %dma_start3A_38 = tpu.memref_slice %arg3[%select_n3A, %dma_start3A_37, %add3A_34] : memref<4x4x50176xi32, #tpu.memory_space<hbm>> -> memref<1x4x128xi32, #tpu.memory_space<hbm>>
    %dma_start3A_39 = tpu.memref_squeeze %dma_start3A_38 : memref<1x4x128xi32, #tpu.memory_space<hbm>> -> memref<4x128xi32, #tpu.memory_space<hbm>>
    tpu.enqueue_dma source(%dma_start3A_39 : memref<4x128xi32, #tpu.memory_space<hbm>>) target(%arg6 : memref<4x128xi32, #tpu.memory_space<vmem>>) target_semaphore(%arg20 : memref<!tpu.dma_semaphore, #tpu.memory_space<semaphore_mem>>)
    %dma_start3A_40 = arith.constant 0 : i32
    %dma_start3A_41 = tpu.memref_slice %arg4[%select_n3A, %dma_start3A_40, %add3A_34] : memref<4x4x50176xf32, #tpu.memory_space<hbm>> -> memref<1x4x128xf32, #tpu.memory_space<hbm>>
    %dma_start3A_42 = tpu.memref_squeeze %dma_start3A_41 : memref<1x4x128xf32, #tpu.memory_space<hbm>> -> memref<4x128xf32, #tpu.memory_space<hbm>>
    %dma_start3A_43 = arith.constant 0 : i32
    %dma_start3A_44 = tpu.memref_slice %arg4[%select_n3A, %dma_start3A_43, %add3A_34] : memref<4x4x50176xf32, #tpu.memory_space<hbm>> -> memref<1x4x128xf32, #tpu.memory_space<hbm>>
    %dma_start3A_45 = tpu.memref_squeeze %dma_start3A_44 : memref<1x4x128xf32, #tpu.memory_space<hbm>> -> memref<4x128xf32, #tpu.memory_space<hbm>>
    tpu.enqueue_dma source(%dma_start3A_45 : memref<4x128xf32, #tpu.memory_space<hbm>>) target(%arg8 : memref<4x128xf32, #tpu.memory_space<vmem>>) target_semaphore(%arg21 : memref<!tpu.dma_semaphore, #tpu.memory_space<semaphore_mem>>)
    %dma_wait3A = arith.constant 0 : i32
    %dma_wait3A_46 = tpu.memref_slice %arg3[%select_n3A, %dma_wait3A, %add3A_34] : memref<4x4x50176xi32, #tpu.memory_space<hbm>> -> memref<1x4x128xi32, #tpu.memory_space<hbm>>
    %dma_wait3A_47 = tpu.memref_squeeze %dma_wait3A_46 : memref<1x4x128xi32, #tpu.memory_space<hbm>> -> memref<4x128xi32, #tpu.memory_space<hbm>>
    %dma_wait3A_48 = arith.constant 0 : i32
    %dma_wait3A_49 = tpu.memref_slice %arg3[%select_n3A, %dma_wait3A_48, %add3A_34] : memref<4x4x50176xi32, #tpu.memory_space<hbm>> -> memref<1x4x128xi32, #tpu.memory_space<hbm>>
    %dma_wait3A_50 = tpu.memref_squeeze %dma_wait3A_49 : memref<1x4x128xi32, #tpu.memory_space<hbm>> -> memref<4x128xi32, #tpu.memory_space<hbm>>
    tpu.wait_dma2 semaphore(%arg20 : memref<!tpu.dma_semaphore, #tpu.memory_space<semaphore_mem>>) src(%dma_wait3A_50 : memref<4x128xi32, #tpu.memory_space<hbm>>) dst(%arg6 : memref<4x128xi32, #tpu.memory_space<vmem>>)
    %dma_wait3A_51 = arith.constant 0 : i32
    %dma_wait3A_52 = tpu.memref_slice %arg4[%select_n3A, %dma_wait3A_51, %add3A_34] : memref<4x4x50176xf32, #tpu.memory_space<hbm>> -> memref<1x4x128xf32, #tpu.memory_space<hbm>>
    %dma_wait3A_53 = tpu.memref_squeeze %dma_wait3A_52 : memref<1x4x128xf32, #tpu.memory_space<hbm>> -> memref<4x128xf32, #tpu.memory_space<hbm>>
    %dma_wait3A_54 = arith.constant 0 : i32
    %dma_wait3A_55 = tpu.memref_slice %arg4[%select_n3A, %dma_wait3A_54, %add3A_34] : memref<4x4x50176xf32, #tpu.memory_space<hbm>> -> memref<1x4x128xf32, #tpu.memory_space<hbm>>
    %dma_wait3A_56 = tpu.memref_squeeze %dma_wait3A_55 : memref<1x4x128xf32, #tpu.memory_space<hbm>> -> memref<4x128xf32, #tpu.memory_space<hbm>>
    tpu.wait_dma2 semaphore(%arg21 : memref<!tpu.dma_semaphore, #tpu.memory_space<semaphore_mem>>) src(%dma_wait3A_56 : memref<4x128xf32, #tpu.memory_space<hbm>>) dst(%arg8 : memref<4x128xf32, #tpu.memory_space<vmem>>)
    %scan3A = arith.constant 0 : i32
    %scan3A_57 = arith.constant 0 : i32
    %scan3A_58 = arith.constant 24 : i32
    %scan3A_59 = arith.addi %scan3A_57, %scan3A_58 : i32
    %scan3A_60 = arith.constant 1 : i32
    %scan3A_61 = scf.for %scan3A_128 = %scan3A_57 to %scan3A_59 step %scan3A_60 iter_args(%scan3A_129 = %scan3A) -> (i32)  : i32 {
      %mul3A_130 = arith.constant 2 : i32
      %mul3A_131 = arith.muli %mul3A_130, %scan3A_128 : i32
      %dma_start3A_132 = arith.constant 0 : i32
      %dma_start3A_133 = arith.constant 0 : i32
      %dma_start3A_134 = tpu.memref_slice %arg6[%dma_start3A_132, %dma_start3A_133] : memref<4x128xi32, #tpu.memory_space<vmem>> -> memref<1x128xi32, #tpu.memory_space<vmem>>
      %dma_start3A_135 = tpu.memref_squeeze %dma_start3A_134 : memref<1x128xi32, #tpu.memory_space<vmem>> -> memref<128xi32, #tpu.memory_space<vmem>>
      %dma_start3A_136 = arith.constant 0 : i32
      %dma_start3A_137 = arith.constant 0 : i32
      %dma_start3A_138 = tpu.memref_slice %arg2[%dma_start3A_136, %dma_start3A_137] : memref<204304x96xf32, #tpu.memory_space<hbm>> -> memref<204304x96xf32, #tpu.memory_space<hbm>>
      tpu.enqueue_indirect_dma source(%dma_start3A_138 : memref<204304x96xf32, #tpu.memory_space<hbm>>) target(%arg10 : memref<128x96xf32, #tpu.memory_space<vmem>>) offsets(%dma_start3A_135 : memref<128xi32, #tpu.memory_space<vmem>>) semaphore(%arg24 : memref<!tpu.dma_semaphore, #tpu.memory_space<semaphore_mem>>)
      %dma_start3A_139 = arith.constant 1 : i32
      %dma_start3A_140 = arith.constant 0 : i32
      %dma_start3A_141 = tpu.memref_slice %arg6[%dma_start3A_139, %dma_start3A_140] : memref<4x128xi32, #tpu.memory_space<vmem>> -> memref<1x128xi32, #tpu.memory_space<vmem>>
      %dma_start3A_142 = tpu.memref_squeeze %dma_start3A_141 : memref<1x128xi32, #tpu.memory_space<vmem>> -> memref<128xi32, #tpu.memory_space<vmem>>
      %dma_start3A_143 = arith.constant 0 : i32
      %dma_start3A_144 = arith.constant 0 : i32
      %dma_start3A_145 = tpu.memref_slice %arg2[%dma_start3A_143, %dma_start3A_144] : memref<204304x96xf32, #tpu.memory_space<hbm>> -> memref<204304x96xf32, #tpu.memory_space<hbm>>
      tpu.enqueue_indirect_dma source(%dma_start3A_145 : memref<204304x96xf32, #tpu.memory_space<hbm>>) target(%arg11 : memref<128x96xf32, #tpu.memory_space<vmem>>) offsets(%dma_start3A_142 : memref<128xi32, #tpu.memory_space<vmem>>) semaphore(%arg25 : memref<!tpu.dma_semaphore, #tpu.memory_space<semaphore_mem>>)
      %dma_start3A_146 = arith.constant 2 : i32
      %dma_start3A_147 = arith.constant 0 : i32
      %dma_start3A_148 = tpu.memref_slice %arg6[%dma_start3A_146, %dma_start3A_147] : memref<4x128xi32, #tpu.memory_space<vmem>> -> memref<1x128xi32, #tpu.memory_space<vmem>>
      %dma_start3A_149 = tpu.memref_squeeze %dma_start3A_148 : memref<1x128xi32, #tpu.memory_space<vmem>> -> memref<128xi32, #tpu.memory_space<vmem>>
      %dma_start3A_150 = arith.constant 0 : i32
      %dma_start3A_151 = arith.constant 0 : i32
      %dma_start3A_152 = tpu.memref_slice %arg2[%dma_start3A_150, %dma_start3A_151] : memref<204304x96xf32, #tpu.memory_space<hbm>> -> memref<204304x96xf32, #tpu.memory_space<hbm>>
      tpu.enqueue_indirect_dma source(%dma_start3A_152 : memref<204304x96xf32, #tpu.memory_space<hbm>>) target(%arg12 : memref<128x96xf32, #tpu.memory_space<vmem>>) offsets(%dma_start3A_149 : memref<128xi32, #tpu.memory_space<vmem>>) semaphore(%arg26 : memref<!tpu.dma_semaphore, #tpu.memory_space<semaphore_mem>>)
      %dma_start3A_153 = arith.constant 3 : i32
      %dma_start3A_154 = arith.constant 0 : i32
      %dma_start3A_155 = tpu.memref_slice %arg6[%dma_start3A_153, %dma_start3A_154] : memref<4x128xi32, #tpu.memory_space<vmem>> -> memref<1x128xi32, #tpu.memory_space<vmem>>
      %dma_start3A_156 = tpu.memref_squeeze %dma_start3A_155 : memref<1x128xi32, #tpu.memory_space<vmem>> -> memref<128xi32, #tpu.memory_space<vmem>>
      %dma_start3A_157 = arith.constant 0 : i32
      %dma_start3A_158 = arith.constant 0 : i32
      %dma_start3A_159 = tpu.memref_slice %arg2[%dma_start3A_157, %dma_start3A_158] : memref<204304x96xf32, #tpu.memory_space<hbm>> -> memref<204304x96xf32, #tpu.memory_space<hbm>>
      tpu.enqueue_indirect_dma source(%dma_start3A_159 : memref<204304x96xf32, #tpu.memory_space<hbm>>) target(%arg13 : memref<128x96xf32, #tpu.memory_space<vmem>>) offsets(%dma_start3A_156 : memref<128xi32, #tpu.memory_space<vmem>>) semaphore(%arg27 : memref<!tpu.dma_semaphore, #tpu.memory_space<semaphore_mem>>)
      %add3A_160 = arith.constant 1 : i32
      %add3A_161 = arith.addi %mul3A_131, %add3A_160 : i32
      %mul3A_162 = arith.constant 128 : i32
      %mul3A_163 = arith.muli %add3A_161, %mul3A_162 : i32
      %add3A_164 = arith.addi %mul3A_32, %mul3A_163 : i32
      %dma_start3A_165 = arith.constant 0 : i32
      %dma_start3A_166 = tpu.memref_slice %arg3[%select_n3A, %dma_start3A_165, %add3A_164] : memref<4x4x50176xi32, #tpu.memory_space<hbm>> -> memref<1x4x128xi32, #tpu.memory_space<hbm>>
      %dma_start3A_167 = tpu.memref_squeeze %dma_start3A_166 : memref<1x4x128xi32, #tpu.memory_space<hbm>> -> memref<4x128xi32, #tpu.memory_space<hbm>>
      %dma_start3A_168 = arith.constant 0 : i32
      %dma_start3A_169 = tpu.memref_slice %arg3[%select_n3A, %dma_start3A_168, %add3A_164] : memref<4x4x50176xi32, #tpu.memory_space<hbm>> -> memref<1x4x128xi32, #tpu.memory_space<hbm>>
      %dma_start3A_170 = tpu.memref_squeeze %dma_start3A_169 : memref<1x4x128xi32, #tpu.memory_space<hbm>> -> memref<4x128xi32, #tpu.memory_space<hbm>>
      tpu.enqueue_dma source(%dma_start3A_170 : memref<4x128xi32, #tpu.memory_space<hbm>>) target(%arg7 : memref<4x128xi32, #tpu.memory_space<vmem>>) target_semaphore(%arg22 : memref<!tpu.dma_semaphore, #tpu.memory_space<semaphore_mem>>)
      %dma_start3A_171 = arith.constant 0 : i32
      %dma_start3A_172 = tpu.memref_slice %arg4[%select_n3A, %dma_start3A_171, %add3A_164] : memref<4x4x50176xf32, #tpu.memory_space<hbm>> -> memref<1x4x128xf32, #tpu.memory_space<hbm>>
      %dma_start3A_173 = tpu.memref_squeeze %dma_start3A_172 : memref<1x4x128xf32, #tpu.memory_space<hbm>> -> memref<4x128xf32, #tpu.memory_space<hbm>>
      %dma_start3A_174 = arith.constant 0 : i32
      %dma_start3A_175 = tpu.memref_slice %arg4[%select_n3A, %dma_start3A_174, %add3A_164] : memref<4x4x50176xf32, #tpu.memory_space<hbm>> -> memref<1x4x128xf32, #tpu.memory_space<hbm>>
      %dma_start3A_176 = tpu.memref_squeeze %dma_start3A_175 : memref<1x4x128xf32, #tpu.memory_space<hbm>> -> memref<4x128xf32, #tpu.memory_space<hbm>>
      tpu.enqueue_dma source(%dma_start3A_176 : memref<4x128xf32, #tpu.memory_space<hbm>>) target(%arg9 : memref<4x128xf32, #tpu.memory_space<vmem>>) target_semaphore(%arg23 : memref<!tpu.dma_semaphore, #tpu.memory_space<semaphore_mem>>)
      %dma_wait3A_177 = arith.constant 0 : i32
      %dma_wait3A_178 = tpu.memref_slice %arg3[%select_n3A, %dma_wait3A_177, %add3A_164] : memref<4x4x50176xi32, #tpu.memory_space<hbm>> -> memref<1x4x128xi32, #tpu.memory_space<hbm>>
      %dma_wait3A_179 = tpu.memref_squeeze %dma_wait3A_178 : memref<1x4x128xi32, #tpu.memory_space<hbm>> -> memref<4x128xi32, #tpu.memory_space<hbm>>
      %dma_wait3A_180 = arith.constant 0 : i32
      %dma_wait3A_181 = tpu.memref_slice %arg3[%select_n3A, %dma_wait3A_180, %add3A_164] : memref<4x4x50176xi32, #tpu.memory_space<hbm>> -> memref<1x4x128xi32, #tpu.memory_space<hbm>>
      %dma_wait3A_182 = tpu.memref_squeeze %dma_wait3A_181 : memref<1x4x128xi32, #tpu.memory_space<hbm>> -> memref<4x128xi32, #tpu.memory_space<hbm>>
      tpu.wait_dma2 semaphore(%arg22 : memref<!tpu.dma_semaphore, #tpu.memory_space<semaphore_mem>>) src(%dma_wait3A_182 : memref<4x128xi32, #tpu.memory_space<hbm>>) dst(%arg7 : memref<4x128xi32, #tpu.memory_space<vmem>>)
      %dma_wait3A_183 = arith.constant 0 : i32
      %dma_wait3A_184 = tpu.memref_slice %arg4[%select_n3A, %dma_wait3A_183, %add3A_164] : memref<4x4x50176xf32, #tpu.memory_space<hbm>> -> memref<1x4x128xf32, #tpu.memory_space<hbm>>
      %dma_wait3A_185 = tpu.memref_squeeze %dma_wait3A_184 : memref<1x4x128xf32, #tpu.memory_space<hbm>> -> memref<4x128xf32, #tpu.memory_space<hbm>>
      %dma_wait3A_186 = arith.constant 0 : i32
      %dma_wait3A_187 = tpu.memref_slice %arg4[%select_n3A, %dma_wait3A_186, %add3A_164] : memref<4x4x50176xf32, #tpu.memory_space<hbm>> -> memref<1x4x128xf32, #tpu.memory_space<hbm>>
      %dma_wait3A_188 = tpu.memref_squeeze %dma_wait3A_187 : memref<1x4x128xf32, #tpu.memory_space<hbm>> -> memref<4x128xf32, #tpu.memory_space<hbm>>
      tpu.wait_dma2 semaphore(%arg23 : memref<!tpu.dma_semaphore, #tpu.memory_space<semaphore_mem>>) src(%dma_wait3A_188 : memref<4x128xf32, #tpu.memory_space<hbm>>) dst(%arg9 : memref<4x128xf32, #tpu.memory_space<vmem>>)
      %dma_start3A_189 = arith.constant 0 : i32
      %dma_start3A_190 = arith.constant 0 : i32
      %dma_start3A_191 = tpu.memref_slice %arg7[%dma_start3A_189, %dma_start3A_190] : memref<4x128xi32, #tpu.memory_space<vmem>> -> memref<1x128xi32, #tpu.memory_space<vmem>>
      %dma_start3A_192 = tpu.memref_squeeze %dma_start3A_191 : memref<1x128xi32, #tpu.memory_space<vmem>> -> memref<128xi32, #tpu.memory_space<vmem>>
      %dma_start3A_193 = arith.constant 0 : i32
      %dma_start3A_194 = arith.constant 0 : i32
      %dma_start3A_195 = tpu.memref_slice %arg2[%dma_start3A_193, %dma_start3A_194] : memref<204304x96xf32, #tpu.memory_space<hbm>> -> memref<204304x96xf32, #tpu.memory_space<hbm>>
      tpu.enqueue_indirect_dma source(%dma_start3A_195 : memref<204304x96xf32, #tpu.memory_space<hbm>>) target(%arg14 : memref<128x96xf32, #tpu.memory_space<vmem>>) offsets(%dma_start3A_192 : memref<128xi32, #tpu.memory_space<vmem>>) semaphore(%arg28 : memref<!tpu.dma_semaphore, #tpu.memory_space<semaphore_mem>>)
      %dma_start3A_196 = arith.constant 1 : i32
      %dma_start3A_197 = arith.constant 0 : i32
      %dma_start3A_198 = tpu.memref_slice %arg7[%dma_start3A_196, %dma_start3A_197] : memref<4x128xi32, #tpu.memory_space<vmem>> -> memref<1x128xi32, #tpu.memory_space<vmem>>
      %dma_start3A_199 = tpu.memref_squeeze %dma_start3A_198 : memref<1x128xi32, #tpu.memory_space<vmem>> -> memref<128xi32, #tpu.memory_space<vmem>>
      %dma_start3A_200 = arith.constant 0 : i32
      %dma_start3A_201 = arith.constant 0 : i32
      %dma_start3A_202 = tpu.memref_slice %arg2[%dma_start3A_200, %dma_start3A_201] : memref<204304x96xf32, #tpu.memory_space<hbm>> -> memref<204304x96xf32, #tpu.memory_space<hbm>>
      tpu.enqueue_indirect_dma source(%dma_start3A_202 : memref<204304x96xf32, #tpu.memory_space<hbm>>) target(%arg15 : memref<128x96xf32, #tpu.memory_space<vmem>>) offsets(%dma_start3A_199 : memref<128xi32, #tpu.memory_space<vmem>>) semaphore(%arg29 : memref<!tpu.dma_semaphore, #tpu.memory_space<semaphore_mem>>)
      %dma_start3A_203 = arith.constant 2 : i32
      %dma_start3A_204 = arith.constant 0 : i32
      %dma_start3A_205 = tpu.memref_slice %arg7[%dma_start3A_203, %dma_start3A_204] : memref<4x128xi32, #tpu.memory_space<vmem>> -> memref<1x128xi32, #tpu.memory_space<vmem>>
      %dma_start3A_206 = tpu.memref_squeeze %dma_start3A_205 : memref<1x128xi32, #tpu.memory_space<vmem>> -> memref<128xi32, #tpu.memory_space<vmem>>
      %dma_start3A_207 = arith.constant 0 : i32
      %dma_start3A_208 = arith.constant 0 : i32
      %dma_start3A_209 = tpu.memref_slice %arg2[%dma_start3A_207, %dma_start3A_208] : memref<204304x96xf32, #tpu.memory_space<hbm>> -> memref<204304x96xf32, #tpu.memory_space<hbm>>
      tpu.enqueue_indirect_dma source(%dma_start3A_209 : memref<204304x96xf32, #tpu.memory_space<hbm>>) target(%arg16 : memref<128x96xf32, #tpu.memory_space<vmem>>) offsets(%dma_start3A_206 : memref<128xi32, #tpu.memory_space<vmem>>) semaphore(%arg30 : memref<!tpu.dma_semaphore, #tpu.memory_space<semaphore_mem>>)
      %dma_start3A_210 = arith.constant 3 : i32
      %dma_start3A_211 = arith.constant 0 : i32
      %dma_start3A_212 = tpu.memref_slice %arg7[%dma_start3A_210, %dma_start3A_211] : memref<4x128xi32, #tpu.memory_space<vmem>> -> memref<1x128xi32, #tpu.memory_space<vmem>>
      %dma_start3A_213 = tpu.memref_squeeze %dma_start3A_212 : memref<1x128xi32, #tpu.memory_space<vmem>> -> memref<128xi32, #tpu.memory_space<vmem>>
      %dma_start3A_214 = arith.constant 0 : i32
      %dma_start3A_215 = arith.constant 0 : i32
      %dma_start3A_216 = tpu.memref_slice %arg2[%dma_start3A_214, %dma_start3A_215] : memref<204304x96xf32, #tpu.memory_space<hbm>> -> memref<204304x96xf32, #tpu.memory_space<hbm>>
      tpu.enqueue_indirect_dma source(%dma_start3A_216 : memref<204304x96xf32, #tpu.memory_space<hbm>>) target(%arg17 : memref<128x96xf32, #tpu.memory_space<vmem>>) offsets(%dma_start3A_213 : memref<128xi32, #tpu.memory_space<vmem>>) semaphore(%arg31 : memref<!tpu.dma_semaphore, #tpu.memory_space<semaphore_mem>>)
      %dma_wait3A_217 = arith.constant 0 : i32
      %dma_wait3A_218 = arith.constant 0 : i32
      %dma_wait3A_219 = tpu.memref_slice %arg6[%dma_wait3A_217, %dma_wait3A_218] : memref<4x128xi32, #tpu.memory_space<vmem>> -> memref<1x128xi32, #tpu.memory_space<vmem>>
      %dma_wait3A_220 = tpu.memref_squeeze %dma_wait3A_219 : memref<1x128xi32, #tpu.memory_space<vmem>> -> memref<128xi32, #tpu.memory_space<vmem>>
      %dma_wait3A_221 = arith.constant 0 : i32
      %dma_wait3A_222 = arith.constant 0 : i32
      %dma_wait3A_223 = tpu.memref_slice %arg2[%dma_wait3A_221, %dma_wait3A_222] : memref<204304x96xf32, #tpu.memory_space<hbm>> -> memref<204304x96xf32, #tpu.memory_space<hbm>>
      tpu.wait_indirect_dma semaphore(%arg24 : memref<!tpu.dma_semaphore, #tpu.memory_space<semaphore_mem>>) src(%dma_wait3A_223 : memref<204304x96xf32, #tpu.memory_space<hbm>>) dst(%arg10 : memref<128x96xf32, #tpu.memory_space<vmem>>)
      %dma_wait3A_224 = arith.constant 1 : i32
      %dma_wait3A_225 = arith.constant 0 : i32
      %dma_wait3A_226 = tpu.memref_slice %arg6[%dma_wait3A_224, %dma_wait3A_225] : memref<4x128xi32, #tpu.memory_space<vmem>> -> memref<1x128xi32, #tpu.memory_space<vmem>>
      %dma_wait3A_227 = tpu.memref_squeeze %dma_wait3A_226 : memref<1x128xi32, #tpu.memory_space<vmem>> -> memref<128xi32, #tpu.memory_space<vmem>>
      %dma_wait3A_228 = arith.constant 0 : i32
      %dma_wait3A_229 = arith.constant 0 : i32
      %dma_wait3A_230 = tpu.memref_slice %arg2[%dma_wait3A_228, %dma_wait3A_229] : memref<204304x96xf32, #tpu.memory_space<hbm>> -> memref<204304x96xf32, #tpu.memory_space<hbm>>
      tpu.wait_indirect_dma semaphore(%arg25 : memref<!tpu.dma_semaphore, #tpu.memory_space<semaphore_mem>>) src(%dma_wait3A_230 : memref<204304x96xf32, #tpu.memory_space<hbm>>) dst(%arg11 : memref<128x96xf32, #tpu.memory_space<vmem>>)
      %dma_wait3A_231 = arith.constant 2 : i32
      %dma_wait3A_232 = arith.constant 0 : i32
      %dma_wait3A_233 = tpu.memref_slice %arg6[%dma_wait3A_231, %dma_wait3A_232] : memref<4x128xi32, #tpu.memory_space<vmem>> -> memref<1x128xi32, #tpu.memory_space<vmem>>
      %dma_wait3A_234 = tpu.memref_squeeze %dma_wait3A_233 : memref<1x128xi32, #tpu.memory_space<vmem>> -> memref<128xi32, #tpu.memory_space<vmem>>
      %dma_wait3A_235 = arith.constant 0 : i32
      %dma_wait3A_236 = arith.constant 0 : i32
      %dma_wait3A_237 = tpu.memref_slice %arg2[%dma_wait3A_235, %dma_wait3A_236] : memref<204304x96xf32, #tpu.memory_space<hbm>> -> memref<204304x96xf32, #tpu.memory_space<hbm>>
      tpu.wait_indirect_dma semaphore(%arg26 : memref<!tpu.dma_semaphore, #tpu.memory_space<semaphore_mem>>) src(%dma_wait3A_237 : memref<204304x96xf32, #tpu.memory_space<hbm>>) dst(%arg12 : memref<128x96xf32, #tpu.memory_space<vmem>>)
      %dma_wait3A_238 = arith.constant 3 : i32
      %dma_wait3A_239 = arith.constant 0 : i32
      %dma_wait3A_240 = tpu.memref_slice %arg6[%dma_wait3A_238, %dma_wait3A_239] : memref<4x128xi32, #tpu.memory_space<vmem>> -> memref<1x128xi32, #tpu.memory_space<vmem>>
      %dma_wait3A_241 = tpu.memref_squeeze %dma_wait3A_240 : memref<1x128xi32, #tpu.memory_space<vmem>> -> memref<128xi32, #tpu.memory_space<vmem>>
      %dma_wait3A_242 = arith.constant 0 : i32
      %dma_wait3A_243 = arith.constant 0 : i32
      %dma_wait3A_244 = tpu.memref_slice %arg2[%dma_wait3A_242, %dma_wait3A_243] : memref<204304x96xf32, #tpu.memory_space<hbm>> -> memref<204304x96xf32, #tpu.memory_space<hbm>>
      tpu.wait_indirect_dma semaphore(%arg27 : memref<!tpu.dma_semaphore, #tpu.memory_space<semaphore_mem>>) src(%dma_wait3A_244 : memref<204304x96xf32, #tpu.memory_space<hbm>>) dst(%arg13 : memref<128x96xf32, #tpu.memory_space<vmem>>)
      %scan3A_245 = arith.constant 0 : i32
      %scan3A_246 = arith.constant 0 : i32
      %scan3A_247 = arith.constant 8 : i32
      %scan3A_248 = arith.addi %scan3A_246, %scan3A_247 : i32
      %scan3A_249 = arith.constant 1 : i32
      %scan3A_250 = scf.for %scan3A_325 = %scan3A_246 to %scan3A_248 step %scan3A_249 iter_args(%scan3A_326 = %scan3A_245) -> (i32)  : i32 {
        %mul3A_327 = arith.constant 16 : i32
        %mul3A_328 = arith.muli %scan3A_325, %mul3A_327 : i32
        %multiple_of3A = tpu.assume_multiple %mul3A_328, 16 : i32
        %get3A = arith.constant 0 : i32
        %get3A_329 = arith.index_cast %get3A : i32 to index
        %get3A_330 = arith.index_cast %multiple_of3A : i32 to index
        %get3A_331 = tpu.vector_load %arg8[%get3A_329, %get3A_330] {strides = array<i32>} : memref<4x128xf32, #tpu.memory_space<vmem>>, vector<1x16xf32>,
        %get3A_332 = vector.shape_cast %get3A_331 : vector<1x16xf32> to vector<16xf32>
        %get3A_333 = arith.constant 1 : i32
        %get3A_334 = arith.index_cast %get3A_333 : i32 to index
        %get3A_335 = arith.index_cast %multiple_of3A : i32 to index
        %get3A_336 = tpu.vector_load %arg8[%get3A_334, %get3A_335] {strides = array<i32>} : memref<4x128xf32, #tpu.memory_space<vmem>>, vector<1x16xf32>,
        %get3A_337 = vector.shape_cast %get3A_336 : vector<1x16xf32> to vector<16xf32>
        %get3A_338 = arith.constant 2 : i32
        %get3A_339 = arith.index_cast %get3A_338 : i32 to index
        %get3A_340 = arith.index_cast %multiple_of3A : i32 to index
        %get3A_341 = tpu.vector_load %arg8[%get3A_339, %get3A_340] {strides = array<i32>} : memref<4x128xf32, #tpu.memory_space<vmem>>, vector<1x16xf32>,
        %get3A_342 = vector.shape_cast %get3A_341 : vector<1x16xf32> to vector<16xf32>
        %get3A_343 = arith.constant 3 : i32
        %get3A_344 = arith.index_cast %get3A_343 : i32 to index
        %get3A_345 = arith.index_cast %multiple_of3A : i32 to index
        %get3A_346 = tpu.vector_load %arg8[%get3A_344, %get3A_345] {strides = array<i32>} : memref<4x128xf32, #tpu.memory_space<vmem>>, vector<1x16xf32>,
        %get3A_347 = vector.shape_cast %get3A_346 : vector<1x16xf32> to vector<16xf32>
        %scan3A_348 = arith.constant 0 : i32
        %scan3A_349 = arith.constant 0 : i32
        %scan3A_350 = arith.constant 16 : i32
        %scan3A_351 = arith.addi %scan3A_349, %scan3A_350 : i32
        %scan3A_352 = arith.constant 1 : i32
        %scan3A_353 = scf.for %scan3A_356 = %scan3A_349 to %scan3A_351 step %scan3A_352 iter_args(%scan3A_357 = %scan3A_348) -> (i32)  : i32 {
          %add3A_358 = arith.addi %multiple_of3A, %scan3A_356 : i32
          %broadcast_in_dim3A = arith.constant 0 : i32
          %broadcast_in_dim3A_359 = vector.broadcast %broadcast_in_dim3A : i32 to vector<16xi32>
          %add3A_360 = vector.broadcast %scan3A_356 : i32 to vector<16xi32>
          %add3A_361 = arith.addi %broadcast_in_dim3A_359, %add3A_360 : vector<16xi32>
          %broadcast_in_dim3A_362 = vector.shape_cast %add3A_361 : vector<16xi32> to vector<16x1xi32>
          %gather3A = vector.shape_cast %broadcast_in_dim3A_362 : vector<16x1xi32> to vector<16xi32>
          %gather3A_363 = tpu.dynamic_gather %get3A_332[%gather3A] in [0] : vector<16xf32>, vector<16xi32> -> vector<16xf32>
          %broadcast_in_dim3A_364 = arith.constant 0 : i32
          %broadcast_in_dim3A_365 = vector.broadcast %broadcast_in_dim3A_364 : i32 to vector<16xi32>
          %add3A_366 = vector.broadcast %scan3A_356 : i32 to vector<16xi32>
          %add3A_367 = arith.addi %broadcast_in_dim3A_365, %add3A_366 : vector<16xi32>
          %broadcast_in_dim3A_368 = vector.shape_cast %add3A_367 : vector<16xi32> to vector<16x1xi32>
          %gather3A_369 = vector.shape_cast %broadcast_in_dim3A_368 : vector<16x1xi32> to vector<16xi32>
          %gather3A_370 = tpu.dynamic_gather %get3A_337[%gather3A_369] in [0] : vector<16xf32>, vector<16xi32> -> vector<16xf32>
          %broadcast_in_dim3A_371 = arith.constant 0 : i32
          %broadcast_in_dim3A_372 = vector.broadcast %broadcast_in_dim3A_371 : i32 to vector<16xi32>
          %add3A_373 = vector.broadcast %scan3A_356 : i32 to vector<16xi32>
          %add3A_374 = arith.addi %broadcast_in_dim3A_372, %add3A_373 : vector<16xi32>
          %broadcast_in_dim3A_375 = vector.shape_cast %add3A_374 : vector<16xi32> to vector<16x1xi32>
          %gather3A_376 = vector.shape_cast %broadcast_in_dim3A_375 : vector<16x1xi32> to vector<16xi32>
          %gather3A_377 = tpu.dynamic_gather %get3A_342[%gather3A_376] in [0] : vector<16xf32>, vector<16xi32> -> vector<16xf32>
          %broadcast_in_dim3A_378 = arith.constant 0 : i32
          %broadcast_in_dim3A_379 = vector.broadcast %broadcast_in_dim3A_378 : i32 to vector<16xi32>
          %add3A_380 = vector.broadcast %scan3A_356 : i32 to vector<16xi32>
          %add3A_381 = arith.addi %broadcast_in_dim3A_379, %add3A_380 : vector<16xi32>
          %broadcast_in_dim3A_382 = vector.shape_cast %add3A_381 : vector<16xi32> to vector<16x1xi32>
          %gather3A_383 = vector.shape_cast %broadcast_in_dim3A_382 : vector<16x1xi32> to vector<16xi32>
          %gather3A_384 = tpu.dynamic_gather %get3A_347[%gather3A_383] in [0] : vector<16xf32>, vector<16xi32> -> vector<16xf32>
          %get3A_385 = arith.index_cast %add3A_358 : i32 to index
          %get3A_386 = arith.constant 0 : index
          %get3A_387 = tpu.vector_load %arg10[%get3A_385, %get3A_386] {strides = array<i32>} : memref<128x96xf32, #tpu.memory_space<vmem>>, vector<1x16xf32>,
          %get3A_388 = vector.shape_cast %get3A_387 : vector<1x16xf32> to vector<16xf32>
          %mul3A_389 = arith.mulf %get3A_388, %gather3A_363 : vector<16xf32>
          %get3A_390 = arith.index_cast %add3A_358 : i32 to index
          %get3A_391 = arith.constant 0 : index
          %get3A_392 = tpu.vector_load %arg11[%get3A_390, %get3A_391] {strides = array<i32>} : memref<128x96xf32, #tpu.memory_space<vmem>>, vector<1x16xf32>,
          %get3A_393 = vector.shape_cast %get3A_392 : vector<1x16xf32> to vector<16xf32>
          %mul3A_394 = arith.mulf %get3A_393, %gather3A_370 : vector<16xf32>
          %add3A_395 = arith.addf %mul3A_389, %mul3A_394 : vector<16xf32>
          %get3A_396 = arith.index_cast %add3A_358 : i32 to index
          %get3A_397 = arith.constant 0 : index
          %get3A_398 = tpu.vector_load %arg12[%get3A_396, %get3A_397] {strides = array<i32>} : memref<128x96xf32, #tpu.memory_space<vmem>>, vector<1x16xf32>,
          %get3A_399 = vector.shape_cast %get3A_398 : vector<1x16xf32> to vector<16xf32>
          %mul3A_400 = arith.mulf %get3A_399, %gather3A_377 : vector<16xf32>
          %add3A_401 = arith.addf %add3A_395, %mul3A_400 : vector<16xf32>
          %get3A_402 = arith.index_cast %add3A_358 : i32 to index
          %get3A_403 = arith.constant 0 : index
          %get3A_404 = tpu.vector_load %arg13[%get3A_402, %get3A_403] {strides = array<i32>} : memref<128x96xf32, #tpu.memory_space<vmem>>, vector<1x16xf32>,
          %get3A_405 = vector.shape_cast %get3A_404 : vector<1x16xf32> to vector<16xf32>
          %mul3A_406 = arith.mulf %get3A_405, %gather3A_384 : vector<16xf32>
          %add3A_407 = arith.addf %add3A_401, %mul3A_406 : vector<16xf32>
          %swap3A = arith.index_cast %add3A_358 : i32 to index
          %swap3A_408 = arith.constant 0 : index
          %swap3A_409 = tpu.vector_load %arg18[%swap3A, %swap3A_408] {strides = array<i32>} : memref<128x96xf32, #tpu.memory_space<vmem>>, vector<1x16xf32>,
          %swap3A_410 = vector.shape_cast %swap3A_409 : vector<1x16xf32> to vector<16xf32>
          %swap3A_411 = vector.shape_cast %add3A_407 : vector<16xf32> to vector<1x16xf32>
          tpu.vector_store %arg18[%swap3A, %swap3A_408], %swap3A_411 {strides = array<i32>} : memref<128x96xf32, #tpu.memory_space<vmem>>, vector<1x16xf32>,
          %get3A_412 = arith.index_cast %add3A_358 : i32 to index
          %get3A_413 = arith.constant 16 : index
          %get3A_414 = tpu.vector_load %arg10[%get3A_412, %get3A_413] {strides = array<i32>} : memref<128x96xf32, #tpu.memory_space<vmem>>, vector<1x16xf32>,
          %get3A_415 = vector.shape_cast %get3A_414 : vector<1x16xf32> to vector<16xf32>
          %mul3A_416 = arith.mulf %get3A_415, %gather3A_363 : vector<16xf32>
          %get3A_417 = arith.index_cast %add3A_358 : i32 to index
          %get3A_418 = arith.constant 16 : index
          %get3A_419 = tpu.vector_load %arg11[%get3A_417, %get3A_418] {strides = array<i32>} : memref<128x96xf32, #tpu.memory_space<vmem>>, vector<1x16xf32>,
          %get3A_420 = vector.shape_cast %get3A_419 : vector<1x16xf32> to vector<16xf32>
          %mul3A_421 = arith.mulf %get3A_420, %gather3A_370 : vector<16xf32>
          %add3A_422 = arith.addf %mul3A_416, %mul3A_421 : vector<16xf32>
          %get3A_423 = arith.index_cast %add3A_358 : i32 to index
          %get3A_424 = arith.constant 16 : index
          %get3A_425 = tpu.vector_load %arg12[%get3A_423, %get3A_424] {strides = array<i32>} : memref<128x96xf32, #tpu.memory_space<vmem>>, vector<1x16xf32>,
          %get3A_426 = vector.shape_cast %get3A_425 : vector<1x16xf32> to vector<16xf32>
          %mul3A_427 = arith.mulf %get3A_426, %gather3A_377 : vector<16xf32>
          %add3A_428 = arith.addf %add3A_422, %mul3A_427 : vector<16xf32>
          %get3A_429 = arith.index_cast %add3A_358 : i32 to index
          %get3A_430 = arith.constant 16 : index
          %get3A_431 = tpu.vector_load %arg13[%get3A_429, %get3A_430] {strides = array<i32>} : memref<128x96xf32, #tpu.memory_space<vmem>>, vector<1x16xf32>,
          %get3A_432 = vector.shape_cast %get3A_431 : vector<1x16xf32> to vector<16xf32>
          %mul3A_433 = arith.mulf %get3A_432, %gather3A_384 : vector<16xf32>
          %add3A_434 = arith.addf %add3A_428, %mul3A_433 : vector<16xf32>
          %swap3A_435 = arith.index_cast %add3A_358 : i32 to index
          %swap3A_436 = arith.constant 16 : index
          %swap3A_437 = tpu.vector_load %arg18[%swap3A_435, %swap3A_436] {strides = array<i32>} : memref<128x96xf32, #tpu.memory_space<vmem>>, vector<1x16xf32>,
          %swap3A_438 = vector.shape_cast %swap3A_437 : vector<1x16xf32> to vector<16xf32>
          %swap3A_439 = vector.shape_cast %add3A_434 : vector<16xf32> to vector<1x16xf32>
          tpu.vector_store %arg18[%swap3A_435, %swap3A_436], %swap3A_439 {strides = array<i32>} : memref<128x96xf32, #tpu.memory_space<vmem>>, vector<1x16xf32>,
          %get3A_440 = arith.index_cast %add3A_358 : i32 to index
          %get3A_441 = arith.constant 32 : index
          %get3A_442 = tpu.vector_load %arg10[%get3A_440, %get3A_441] {strides = array<i32>} : memref<128x96xf32, #tpu.memory_space<vmem>>, vector<1x16xf32>,
          %get3A_443 = vector.shape_cast %get3A_442 : vector<1x16xf32> to vector<16xf32>
          %mul3A_444 = arith.mulf %get3A_443, %gather3A_363 : vector<16xf32>
          %get3A_445 = arith.index_cast %add3A_358 : i32 to index
          %get3A_446 = arith.constant 32 : index
          %get3A_447 = tpu.vector_load %arg11[%get3A_445, %get3A_446] {strides = array<i32>} : memref<128x96xf32, #tpu.memory_space<vmem>>, vector<1x16xf32>,
          %get3A_448 = vector.shape_cast %get3A_447 : vector<1x16xf32> to vector<16xf32>
          %mul3A_449 = arith.mulf %get3A_448, %gather3A_370 : vector<16xf32>
          %add3A_450 = arith.addf %mul3A_444, %mul3A_449 : vector<16xf32>
          %get3A_451 = arith.index_cast %add3A_358 : i32 to index
          %get3A_452 = arith.constant 32 : index
          %get3A_453 = tpu.vector_load %arg12[%get3A_451, %get3A_452] {strides = array<i32>} : memref<128x96xf32, #tpu.memory_space<vmem>>, vector<1x16xf32>,
          %get3A_454 = vector.shape_cast %get3A_453 : vector<1x16xf32> to vector<16xf32>
          %mul3A_455 = arith.mulf %get3A_454, %gather3A_377 : vector<16xf32>
          %add3A_456 = arith.addf %add3A_450, %mul3A_455 : vector<16xf32>
          %get3A_457 = arith.index_cast %add3A_358 : i32 to index
          %get3A_458 = arith.constant 32 : index
          %get3A_459 = tpu.vector_load %arg13[%get3A_457, %get3A_458] {strides = array<i32>} : memref<128x96xf32, #tpu.memory_space<vmem>>, vector<1x16xf32>,
          %get3A_460 = vector.shape_cast %get3A_459 : vector<1x16xf32> to vector<16xf32>
          %mul3A_461 = arith.mulf %get3A_460, %gather3A_384 : vector<16xf32>
          %add3A_462 = arith.addf %add3A_456, %mul3A_461 : vector<16xf32>
          %swap3A_463 = arith.index_cast %add3A_358 : i32 to index
          %swap3A_464 = arith.constant 32 : index
          %swap3A_465 = tpu.vector_load %arg18[%swap3A_463, %swap3A_464] {strides = array<i32>} : memref<128x96xf32, #tpu.memory_space<vmem>>, vector<1x16xf32>,
          %swap3A_466 = vector.shape_cast %swap3A_465 : vector<1x16xf32> to vector<16xf32>
          %swap3A_467 = vector.shape_cast %add3A_462 : vector<16xf32> to vector<1x16xf32>
          tpu.vector_store %arg18[%swap3A_463, %swap3A_464], %swap3A_467 {strides = array<i32>} : memref<128x96xf32, #tpu.memory_space<vmem>>, vector<1x16xf32>,
          %get3A_468 = arith.index_cast %add3A_358 : i32 to index
          %get3A_469 = arith.constant 48 : index
          %get3A_470 = tpu.vector_load %arg10[%get3A_468, %get3A_469] {strides = array<i32>} : memref<128x96xf32, #tpu.memory_space<vmem>>, vector<1x16xf32>,
          %get3A_471 = vector.shape_cast %get3A_470 : vector<1x16xf32> to vector<16xf32>
          %mul3A_472 = arith.mulf %get3A_471, %gather3A_363 : vector<16xf32>
          %get3A_473 = arith.index_cast %add3A_358 : i32 to index
          %get3A_474 = arith.constant 48 : index
          %get3A_475 = tpu.vector_load %arg11[%get3A_473, %get3A_474] {strides = array<i32>} : memref<128x96xf32, #tpu.memory_space<vmem>>, vector<1x16xf32>,
          %get3A_476 = vector.shape_cast %get3A_475 : vector<1x16xf32> to vector<16xf32>
          %mul3A_477 = arith.mulf %get3A_476, %gather3A_370 : vector<16xf32>
          %add3A_478 = arith.addf %mul3A_472, %mul3A_477 : vector<16xf32>
          %get3A_479 = arith.index_cast %add3A_358 : i32 to index
          %get3A_480 = arith.constant 48 : index
          %get3A_481 = tpu.vector_load %arg12[%get3A_479, %get3A_480] {strides = array<i32>} : memref<128x96xf32, #tpu.memory_space<vmem>>, vector<1x16xf32>,
          %get3A_482 = vector.shape_cast %get3A_481 : vector<1x16xf32> to vector<16xf32>
          %mul3A_483 = arith.mulf %get3A_482, %gather3A_377 : vector<16xf32>
          %add3A_484 = arith.addf %add3A_478, %mul3A_483 : vector<16xf32>
          %get3A_485 = arith.index_cast %add3A_358 : i32 to index
          %get3A_486 = arith.constant 48 : index
          %get3A_487 = tpu.vector_load %arg13[%get3A_485, %get3A_486] {strides = array<i32>} : memref<128x96xf32, #tpu.memory_space<vmem>>, vector<1x16xf32>,
          %get3A_488 = vector.shape_cast %get3A_487 : vector<1x16xf32> to vector<16xf32>
          %mul3A_489 = arith.mulf %get3A_488, %gather3A_384 : vector<16xf32>
          %add3A_490 = arith.addf %add3A_484, %mul3A_489 : vector<16xf32>
          %swap3A_491 = arith.index_cast %add3A_358 : i32 to index
          %swap3A_492 = arith.constant 48 : index
          %swap3A_493 = tpu.vector_load %arg18[%swap3A_491, %swap3A_492] {strides = array<i32>} : memref<128x96xf32, #tpu.memory_space<vmem>>, vector<1x16xf32>,
          %swap3A_494 = vector.shape_cast %swap3A_493 : vector<1x16xf32> to vector<16xf32>
          %swap3A_495 = vector.shape_cast %add3A_490 : vector<16xf32> to vector<1x16xf32>
          tpu.vector_store %arg18[%swap3A_491, %swap3A_492], %swap3A_495 {strides = array<i32>} : memref<128x96xf32, #tpu.memory_space<vmem>>, vector<1x16xf32>,
          %get3A_496 = arith.index_cast %add3A_358 : i32 to index
          %get3A_497 = arith.constant 64 : index
          %get3A_498 = tpu.vector_load %arg10[%get3A_496, %get3A_497] {strides = array<i32>} : memref<128x96xf32, #tpu.memory_space<vmem>>, vector<1x16xf32>,
          %get3A_499 = vector.shape_cast %get3A_498 : vector<1x16xf32> to vector<16xf32>
          %mul3A_500 = arith.mulf %get3A_499, %gather3A_363 : vector<16xf32>
          %get3A_501 = arith.index_cast %add3A_358 : i32 to index
          %get3A_502 = arith.constant 64 : index
          %get3A_503 = tpu.vector_load %arg11[%get3A_501, %get3A_502] {strides = array<i32>} : memref<128x96xf32, #tpu.memory_space<vmem>>, vector<1x16xf32>,
          %get3A_504 = vector.shape_cast %get3A_503 : vector<1x16xf32> to vector<16xf32>
          %mul3A_505 = arith.mulf %get3A_504, %gather3A_370 : vector<16xf32>
          %add3A_506 = arith.addf %mul3A_500, %mul3A_505 : vector<16xf32>
          %get3A_507 = arith.index_cast %add3A_358 : i32 to index
          %get3A_508 = arith.constant 64 : index
          %get3A_509 = tpu.vector_load %arg12[%get3A_507, %get3A_508] {strides = array<i32>} : memref<128x96xf32, #tpu.memory_space<vmem>>, vector<1x16xf32>,
          %get3A_510 = vector.shape_cast %get3A_509 : vector<1x16xf32> to vector<16xf32>
          %mul3A_511 = arith.mulf %get3A_510, %gather3A_377 : vector<16xf32>
          %add3A_512 = arith.addf %add3A_506, %mul3A_511 : vector<16xf32>
          %get3A_513 = arith.index_cast %add3A_358 : i32 to index
          %get3A_514 = arith.constant 64 : index
          %get3A_515 = tpu.vector_load %arg13[%get3A_513, %get3A_514] {strides = array<i32>} : memref<128x96xf32, #tpu.memory_space<vmem>>, vector<1x16xf32>,
          %get3A_516 = vector.shape_cast %get3A_515 : vector<1x16xf32> to vector<16xf32>
          %mul3A_517 = arith.mulf %get3A_516, %gather3A_384 : vector<16xf32>
          %add3A_518 = arith.addf %add3A_512, %mul3A_517 : vector<16xf32>
          %swap3A_519 = arith.index_cast %add3A_358 : i32 to index
          %swap3A_520 = arith.constant 64 : index
          %swap3A_521 = tpu.vector_load %arg18[%swap3A_519, %swap3A_520] {strides = array<i32>} : memref<128x96xf32, #tpu.memory_space<vmem>>, vector<1x16xf32>,
          %swap3A_522 = vector.shape_cast %swap3A_521 : vector<1x16xf32> to vector<16xf32>
          %swap3A_523 = vector.shape_cast %add3A_518 : vector<16xf32> to vector<1x16xf32>
          tpu.vector_store %arg18[%swap3A_519, %swap3A_520], %swap3A_523 {strides = array<i32>} : memref<128x96xf32, #tpu.memory_space<vmem>>, vector<1x16xf32>,
          %get3A_524 = arith.index_cast %add3A_358 : i32 to index
          %get3A_525 = arith.constant 80 : index
          %get3A_526 = tpu.vector_load %arg10[%get3A_524, %get3A_525] {strides = array<i32>} : memref<128x96xf32, #tpu.memory_space<vmem>>, vector<1x16xf32>,
          %get3A_527 = vector.shape_cast %get3A_526 : vector<1x16xf32> to vector<16xf32>
          %mul3A_528 = arith.mulf %get3A_527, %gather3A_363 : vector<16xf32>
          %get3A_529 = arith.index_cast %add3A_358 : i32 to index
          %get3A_530 = arith.constant 80 : index
          %get3A_531 = tpu.vector_load %arg11[%get3A_529, %get3A_530] {strides = array<i32>} : memref<128x96xf32, #tpu.memory_space<vmem>>, vector<1x16xf32>,
          %get3A_532 = vector.shape_cast %get3A_531 : vector<1x16xf32> to vector<16xf32>
          %mul3A_533 = arith.mulf %get3A_532, %gather3A_370 : vector<16xf32>
          %add3A_534 = arith.addf %mul3A_528, %mul3A_533 : vector<16xf32>
          %get3A_535 = arith.index_cast %add3A_358 : i32 to index
          %get3A_536 = arith.constant 80 : index
          %get3A_537 = tpu.vector_load %arg12[%get3A_535, %get3A_536] {strides = array<i32>} : memref<128x96xf32, #tpu.memory_space<vmem>>, vector<1x16xf32>,
          %get3A_538 = vector.shape_cast %get3A_537 : vector<1x16xf32> to vector<16xf32>
          %mul3A_539 = arith.mulf %get3A_538, %gather3A_377 : vector<16xf32>
          %add3A_540 = arith.addf %add3A_534, %mul3A_539 : vector<16xf32>
          %get3A_541 = arith.index_cast %add3A_358 : i32 to index
          %get3A_542 = arith.constant 80 : index
          %get3A_543 = tpu.vector_load %arg13[%get3A_541, %get3A_542] {strides = array<i32>} : memref<128x96xf32, #tpu.memory_space<vmem>>, vector<1x16xf32>,
          %get3A_544 = vector.shape_cast %get3A_543 : vector<1x16xf32> to vector<16xf32>
          %mul3A_545 = arith.mulf %get3A_544, %gather3A_384 : vector<16xf32>
          %add3A_546 = arith.addf %add3A_540, %mul3A_545 : vector<16xf32>
          %swap3A_547 = arith.index_cast %add3A_358 : i32 to index
          %swap3A_548 = arith.constant 80 : index
          %swap3A_549 = tpu.vector_load %arg18[%swap3A_547, %swap3A_548] {strides = array<i32>} : memref<128x96xf32, #tpu.memory_space<vmem>>, vector<1x16xf32>,
          %swap3A_550 = vector.shape_cast %swap3A_549 : vector<1x16xf32> to vector<16xf32>
          %swap3A_551 = vector.shape_cast %add3A_546 : vector<16xf32> to vector<1x16xf32>
          tpu.vector_store %arg18[%swap3A_547, %swap3A_548], %swap3A_551 {strides = array<i32>} : memref<128x96xf32, #tpu.memory_space<vmem>>, vector<1x16xf32>,
          %scan3A_552 = arith.constant 0 : i32
          scf.yield %scan3A_552 : i32
        }
        %scan3A_354 = arith.constant 16 : i32
        %scan3A_355 = arith.constant 0 : i32
        scf.yield %scan3A_355 : i32
      }
      %scan3A_251 = arith.constant 8 : i32
      %mul3A_252 = arith.constant 128 : i32
      %mul3A_253 = arith.muli %mul3A_131, %mul3A_252 : i32
      %add3A_254 = arith.addi %mul3A_32, %mul3A_253 : i32
      "tpu.region"() ({
        %run_scoped3A = tpu.sem_alloc : memref<!tpu.dma_semaphore, #tpu.memory_space<semaphore_mem>>
        %dma_start3A_325 = arith.constant 0 : i32
        %dma_start3A_326 = tpu.memref_slice %arg5[%select_n3A, %add3A_254, %dma_start3A_325] : memref<4x50176x96xf32, #tpu.memory_space<hbm>> -> memref<1x128x96xf32, #tpu.memory_space<hbm>>
        %dma_start3A_327 = tpu.memref_squeeze %dma_start3A_326 : memref<1x128x96xf32, #tpu.memory_space<hbm>> -> memref<128x96xf32, #tpu.memory_space<hbm>>
        %dma_start3A_328 = arith.constant 0 : i32
        %dma_start3A_329 = tpu.memref_slice %arg5[%select_n3A, %add3A_254, %dma_start3A_328] : memref<4x50176x96xf32, #tpu.memory_space<hbm>> -> memref<1x128x96xf32, #tpu.memory_space<hbm>>
        %dma_start3A_330 = tpu.memref_squeeze %dma_start3A_329 : memref<1x128x96xf32, #tpu.memory_space<hbm>> -> memref<128x96xf32, #tpu.memory_space<hbm>>
        tpu.enqueue_dma source(%arg18 : memref<128x96xf32, #tpu.memory_space<vmem>>) target(%dma_start3A_330 : memref<128x96xf32, #tpu.memory_space<hbm>>) target_semaphore(%run_scoped3A : memref<!tpu.dma_semaphore, #tpu.memory_space<semaphore_mem>>)
        %dma_wait3A_331 = arith.constant 0 : i32
        %dma_wait3A_332 = tpu.memref_slice %arg5[%select_n3A, %add3A_254, %dma_wait3A_331] : memref<4x50176x96xf32, #tpu.memory_space<hbm>> -> memref<1x128x96xf32, #tpu.memory_space<hbm>>
        %dma_wait3A_333 = tpu.memref_squeeze %dma_wait3A_332 : memref<1x128x96xf32, #tpu.memory_space<hbm>> -> memref<128x96xf32, #tpu.memory_space<hbm>>
        %dma_wait3A_334 = arith.constant 0 : i32
        %dma_wait3A_335 = tpu.memref_slice %arg5[%select_n3A, %add3A_254, %dma_wait3A_334] : memref<4x50176x96xf32, #tpu.memory_space<hbm>> -> memref<1x128x96xf32, #tpu.memory_space<hbm>>
        %dma_wait3A_336 = tpu.memref_squeeze %dma_wait3A_335 : memref<1x128x96xf32, #tpu.memory_space<hbm>> -> memref<128x96xf32, #tpu.memory_space<hbm>>
        tpu.wait_dma2 semaphore(%run_scoped3A : memref<!tpu.dma_semaphore, #tpu.memory_space<semaphore_mem>>) src(%arg18 : memref<128x96xf32, #tpu.memory_space<vmem>>) dst(%dma_wait3A_336 : memref<128x96xf32, #tpu.memory_space<hbm>>)
        tpu.yield
      }) : () -> ()
      %add3A_255 = arith.constant 2 : i32
      %add3A_256 = arith.addi %mul3A_131, %add3A_255 : i32
      %mul3A_257 = arith.constant 128 : i32
      %mul3A_258 = arith.muli %add3A_256, %mul3A_257 : i32
      %add3A_259 = arith.addi %mul3A_32, %mul3A_258 : i32
      %dma_start3A_260 = arith.constant 0 : i32
      %dma_start3A_261 = tpu.memref_slice %arg3[%select_n3A, %dma_start3A_260, %add3A_259] : memref<4x4x50176xi32, #tpu.memory_space<hbm>> -> memref<1x4x128xi32, #tpu.memory_space<hbm>>
      %dma_start3A_262 = tpu.memref_squeeze %dma_start3A_261 : memref<1x4x128xi32, #tpu.memory_space<hbm>> -> memref<4x128xi32, #tpu.memory_space<hbm>>
      %dma_start3A_263 = arith.constant 0 : i32
      %dma_start3A_264 = tpu.memref_slice %arg3[%select_n3A, %dma_start3A_263, %add3A_259] : memref<4x4x50176xi32, #tpu.memory_space<hbm>> -> memref<1x4x128xi32, #tpu.memory_space<hbm>>
      %dma_start3A_265 = tpu.memref_squeeze %dma_start3A_264 : memref<1x4x128xi32, #tpu.memory_space<hbm>> -> memref<4x128xi32, #tpu.memory_space<hbm>>
      tpu.enqueue_dma source(%dma_start3A_265 : memref<4x128xi32, #tpu.memory_space<hbm>>) target(%arg6 : memref<4x128xi32, #tpu.memory_space<vmem>>) target_semaphore(%arg20 : memref<!tpu.dma_semaphore, #tpu.memory_space<semaphore_mem>>)
      %dma_start3A_266 = arith.constant 0 : i32
      %dma_start3A_267 = tpu.memref_slice %arg4[%select_n3A, %dma_start3A_266, %add3A_259] : memref<4x4x50176xf32, #tpu.memory_space<hbm>> -> memref<1x4x128xf32, #tpu.memory_space<hbm>>
      %dma_start3A_268 = tpu.memref_squeeze %dma_start3A_267 : memref<1x4x128xf32, #tpu.memory_space<hbm>> -> memref<4x128xf32, #tpu.memory_space<hbm>>
      %dma_start3A_269 = arith.constant 0 : i32
      %dma_start3A_270 = tpu.memref_slice %arg4[%select_n3A, %dma_start3A_269, %add3A_259] : memref<4x4x50176xf32, #tpu.memory_space<hbm>> -> memref<1x4x128xf32, #tpu.memory_space<hbm>>
      %dma_start3A_271 = tpu.memref_squeeze %dma_start3A_270 : memref<1x4x128xf32, #tpu.memory_space<hbm>> -> memref<4x128xf32, #tpu.memory_space<hbm>>
      tpu.enqueue_dma source(%dma_start3A_271 : memref<4x128xf32, #tpu.memory_space<hbm>>) target(%arg8 : memref<4x128xf32, #tpu.memory_space<vmem>>) target_semaphore(%arg21 : memref<!tpu.dma_semaphore, #tpu.memory_space<semaphore_mem>>)
      %dma_wait3A_272 = arith.constant 0 : i32
      %dma_wait3A_273 = arith.constant 0 : i32
      %dma_wait3A_274 = tpu.memref_slice %arg7[%dma_wait3A_272, %dma_wait3A_273] : memref<4x128xi32, #tpu.memory_space<vmem>> -> memref<1x128xi32, #tpu.memory_space<vmem>>
      %dma_wait3A_275 = tpu.memref_squeeze %dma_wait3A_274 : memref<1x128xi32, #tpu.memory_space<vmem>> -> memref<128xi32, #tpu.memory_space<vmem>>
      %dma_wait3A_276 = arith.constant 0 : i32
      %dma_wait3A_277 = arith.constant 0 : i32
      %dma_wait3A_278 = tpu.memref_slice %arg2[%dma_wait3A_276, %dma_wait3A_277] : memref<204304x96xf32, #tpu.memory_space<hbm>> -> memref<204304x96xf32, #tpu.memory_space<hbm>>
      tpu.wait_indirect_dma semaphore(%arg28 : memref<!tpu.dma_semaphore, #tpu.memory_space<semaphore_mem>>) src(%dma_wait3A_278 : memref<204304x96xf32, #tpu.memory_space<hbm>>) dst(%arg14 : memref<128x96xf32, #tpu.memory_space<vmem>>)
      %dma_wait3A_279 = arith.constant 1 : i32
      %dma_wait3A_280 = arith.constant 0 : i32
      %dma_wait3A_281 = tpu.memref_slice %arg7[%dma_wait3A_279, %dma_wait3A_280] : memref<4x128xi32, #tpu.memory_space<vmem>> -> memref<1x128xi32, #tpu.memory_space<vmem>>
      %dma_wait3A_282 = tpu.memref_squeeze %dma_wait3A_281 : memref<1x128xi32, #tpu.memory_space<vmem>> -> memref<128xi32, #tpu.memory_space<vmem>>
      %dma_wait3A_283 = arith.constant 0 : i32
      %dma_wait3A_284 = arith.constant 0 : i32
      %dma_wait3A_285 = tpu.memref_slice %arg2[%dma_wait3A_283, %dma_wait3A_284] : memref<204304x96xf32, #tpu.memory_space<hbm>> -> memref<204304x96xf32, #tpu.memory_space<hbm>>
      tpu.wait_indirect_dma semaphore(%arg29 : memref<!tpu.dma_semaphore, #tpu.memory_space<semaphore_mem>>) src(%dma_wait3A_285 : memref<204304x96xf32, #tpu.memory_space<hbm>>) dst(%arg15 : memref<128x96xf32, #tpu.memory_space<vmem>>)
      %dma_wait3A_286 = arith.constant 2 : i32
      %dma_wait3A_287 = arith.constant 0 : i32
      %dma_wait3A_288 = tpu.memref_slice %arg7[%dma_wait3A_286, %dma_wait3A_287] : memref<4x128xi32, #tpu.memory_space<vmem>> -> memref<1x128xi32, #tpu.memory_space<vmem>>
      %dma_wait3A_289 = tpu.memref_squeeze %dma_wait3A_288 : memref<1x128xi32, #tpu.memory_space<vmem>> -> memref<128xi32, #tpu.memory_space<vmem>>
      %dma_wait3A_290 = arith.constant 0 : i32
      %dma_wait3A_291 = arith.constant 0 : i32
      %dma_wait3A_292 = tpu.memref_slice %arg2[%dma_wait3A_290, %dma_wait3A_291] : memref<204304x96xf32, #tpu.memory_space<hbm>> -> memref<204304x96xf32, #tpu.memory_space<hbm>>
      tpu.wait_indirect_dma semaphore(%arg30 : memref<!tpu.dma_semaphore, #tpu.memory_space<semaphore_mem>>) src(%dma_wait3A_292 : memref<204304x96xf32, #tpu.memory_space<hbm>>) dst(%arg16 : memref<128x96xf32, #tpu.memory_space<vmem>>)
      %dma_wait3A_293 = arith.constant 3 : i32
      %dma_wait3A_294 = arith.constant 0 : i32
      %dma_wait3A_295 = tpu.memref_slice %arg7[%dma_wait3A_293, %dma_wait3A_294] : memref<4x128xi32, #tpu.memory_space<vmem>> -> memref<1x128xi32, #tpu.memory_space<vmem>>
      %dma_wait3A_296 = tpu.memref_squeeze %dma_wait3A_295 : memref<1x128xi32, #tpu.memory_space<vmem>> -> memref<128xi32, #tpu.memory_space<vmem>>
      %dma_wait3A_297 = arith.constant 0 : i32
      %dma_wait3A_298 = arith.constant 0 : i32
      %dma_wait3A_299 = tpu.memref_slice %arg2[%dma_wait3A_297, %dma_wait3A_298] : memref<204304x96xf32, #tpu.memory_space<hbm>> -> memref<204304x96xf32, #tpu.memory_space<hbm>>
      tpu.wait_indirect_dma semaphore(%arg31 : memref<!tpu.dma_semaphore, #tpu.memory_space<semaphore_mem>>) src(%dma_wait3A_299 : memref<204304x96xf32, #tpu.memory_space<hbm>>) dst(%arg17 : memref<128x96xf32, #tpu.memory_space<vmem>>)
      %scan3A_300 = arith.constant 0 : i32
      %scan3A_301 = arith.constant 0 : i32
      %scan3A_302 = arith.constant 8 : i32
      %scan3A_303 = arith.addi %scan3A_301, %scan3A_302 : i32
      %scan3A_304 = arith.constant 1 : i32
      %scan3A_305 = scf.for %scan3A_325 = %scan3A_301 to %scan3A_303 step %scan3A_304 iter_args(%scan3A_326 = %scan3A_300) -> (i32)  : i32 {
        %mul3A_327 = arith.constant 16 : i32
        %mul3A_328 = arith.muli %scan3A_325, %mul3A_327 : i32
        %multiple_of3A = tpu.assume_multiple %mul3A_328, 16 : i32
        %get3A = arith.constant 0 : i32
        %get3A_329 = arith.index_cast %get3A : i32 to index
        %get3A_330 = arith.index_cast %multiple_of3A : i32 to index
        %get3A_331 = tpu.vector_load %arg9[%get3A_329, %get3A_330] {strides = array<i32>} : memref<4x128xf32, #tpu.memory_space<vmem>>, vector<1x16xf32>,
        %get3A_332 = vector.shape_cast %get3A_331 : vector<1x16xf32> to vector<16xf32>
        %get3A_333 = arith.constant 1 : i32
        %get3A_334 = arith.index_cast %get3A_333 : i32 to index
        %get3A_335 = arith.index_cast %multiple_of3A : i32 to index
        %get3A_336 = tpu.vector_load %arg9[%get3A_334, %get3A_335] {strides = array<i32>} : memref<4x128xf32, #tpu.memory_space<vmem>>, vector<1x16xf32>,
        %get3A_337 = vector.shape_cast %get3A_336 : vector<1x16xf32> to vector<16xf32>
        %get3A_338 = arith.constant 2 : i32
        %get3A_339 = arith.index_cast %get3A_338 : i32 to index
        %get3A_340 = arith.index_cast %multiple_of3A : i32 to index
        %get3A_341 = tpu.vector_load %arg9[%get3A_339, %get3A_340] {strides = array<i32>} : memref<4x128xf32, #tpu.memory_space<vmem>>, vector<1x16xf32>,
        %get3A_342 = vector.shape_cast %get3A_341 : vector<1x16xf32> to vector<16xf32>
        %get3A_343 = arith.constant 3 : i32
        %get3A_344 = arith.index_cast %get3A_343 : i32 to index
        %get3A_345 = arith.index_cast %multiple_of3A : i32 to index
        %get3A_346 = tpu.vector_load %arg9[%get3A_344, %get3A_345] {strides = array<i32>} : memref<4x128xf32, #tpu.memory_space<vmem>>, vector<1x16xf32>,
        %get3A_347 = vector.shape_cast %get3A_346 : vector<1x16xf32> to vector<16xf32>
        %scan3A_348 = arith.constant 0 : i32
        %scan3A_349 = arith.constant 0 : i32
        %scan3A_350 = arith.constant 16 : i32
        %scan3A_351 = arith.addi %scan3A_349, %scan3A_350 : i32
        %scan3A_352 = arith.constant 1 : i32
        %scan3A_353 = scf.for %scan3A_356 = %scan3A_349 to %scan3A_351 step %scan3A_352 iter_args(%scan3A_357 = %scan3A_348) -> (i32)  : i32 {
          %add3A_358 = arith.addi %multiple_of3A, %scan3A_356 : i32
          %broadcast_in_dim3A = arith.constant 0 : i32
          %broadcast_in_dim3A_359 = vector.broadcast %broadcast_in_dim3A : i32 to vector<16xi32>
          %add3A_360 = vector.broadcast %scan3A_356 : i32 to vector<16xi32>
          %add3A_361 = arith.addi %broadcast_in_dim3A_359, %add3A_360 : vector<16xi32>
          %broadcast_in_dim3A_362 = vector.shape_cast %add3A_361 : vector<16xi32> to vector<16x1xi32>
          %gather3A = vector.shape_cast %broadcast_in_dim3A_362 : vector<16x1xi32> to vector<16xi32>
          %gather3A_363 = tpu.dynamic_gather %get3A_332[%gather3A] in [0] : vector<16xf32>, vector<16xi32> -> vector<16xf32>
          %broadcast_in_dim3A_364 = arith.constant 0 : i32
          %broadcast_in_dim3A_365 = vector.broadcast %broadcast_in_dim3A_364 : i32 to vector<16xi32>
          %add3A_366 = vector.broadcast %scan3A_356 : i32 to vector<16xi32>
          %add3A_367 = arith.addi %broadcast_in_dim3A_365, %add3A_366 : vector<16xi32>
          %broadcast_in_dim3A_368 = vector.shape_cast %add3A_367 : vector<16xi32> to vector<16x1xi32>
          %gather3A_369 = vector.shape_cast %broadcast_in_dim3A_368 : vector<16x1xi32> to vector<16xi32>
          %gather3A_370 = tpu.dynamic_gather %get3A_337[%gather3A_369] in [0] : vector<16xf32>, vector<16xi32> -> vector<16xf32>
          %broadcast_in_dim3A_371 = arith.constant 0 : i32
          %broadcast_in_dim3A_372 = vector.broadcast %broadcast_in_dim3A_371 : i32 to vector<16xi32>
          %add3A_373 = vector.broadcast %scan3A_356 : i32 to vector<16xi32>
          %add3A_374 = arith.addi %broadcast_in_dim3A_372, %add3A_373 : vector<16xi32>
          %broadcast_in_dim3A_375 = vector.shape_cast %add3A_374 : vector<16xi32> to vector<16x1xi32>
          %gather3A_376 = vector.shape_cast %broadcast_in_dim3A_375 : vector<16x1xi32> to vector<16xi32>
          %gather3A_377 = tpu.dynamic_gather %get3A_342[%gather3A_376] in [0] : vector<16xf32>, vector<16xi32> -> vector<16xf32>
          %broadcast_in_dim3A_378 = arith.constant 0 : i32
          %broadcast_in_dim3A_379 = vector.broadcast %broadcast_in_dim3A_378 : i32 to vector<16xi32>
          %add3A_380 = vector.broadcast %scan3A_356 : i32 to vector<16xi32>
          %add3A_381 = arith.addi %broadcast_in_dim3A_379, %add3A_380 : vector<16xi32>
          %broadcast_in_dim3A_382 = vector.shape_cast %add3A_381 : vector<16xi32> to vector<16x1xi32>
          %gather3A_383 = vector.shape_cast %broadcast_in_dim3A_382 : vector<16x1xi32> to vector<16xi32>
          %gather3A_384 = tpu.dynamic_gather %get3A_347[%gather3A_383] in [0] : vector<16xf32>, vector<16xi32> -> vector<16xf32>
          %get3A_385 = arith.index_cast %add3A_358 : i32 to index
          %get3A_386 = arith.constant 0 : index
          %get3A_387 = tpu.vector_load %arg14[%get3A_385, %get3A_386] {strides = array<i32>} : memref<128x96xf32, #tpu.memory_space<vmem>>, vector<1x16xf32>,
          %get3A_388 = vector.shape_cast %get3A_387 : vector<1x16xf32> to vector<16xf32>
          %mul3A_389 = arith.mulf %get3A_388, %gather3A_363 : vector<16xf32>
          %get3A_390 = arith.index_cast %add3A_358 : i32 to index
          %get3A_391 = arith.constant 0 : index
          %get3A_392 = tpu.vector_load %arg15[%get3A_390, %get3A_391] {strides = array<i32>} : memref<128x96xf32, #tpu.memory_space<vmem>>, vector<1x16xf32>,
          %get3A_393 = vector.shape_cast %get3A_392 : vector<1x16xf32> to vector<16xf32>
          %mul3A_394 = arith.mulf %get3A_393, %gather3A_370 : vector<16xf32>
          %add3A_395 = arith.addf %mul3A_389, %mul3A_394 : vector<16xf32>
          %get3A_396 = arith.index_cast %add3A_358 : i32 to index
          %get3A_397 = arith.constant 0 : index
          %get3A_398 = tpu.vector_load %arg16[%get3A_396, %get3A_397] {strides = array<i32>} : memref<128x96xf32, #tpu.memory_space<vmem>>, vector<1x16xf32>,
          %get3A_399 = vector.shape_cast %get3A_398 : vector<1x16xf32> to vector<16xf32>
          %mul3A_400 = arith.mulf %get3A_399, %gather3A_377 : vector<16xf32>
          %add3A_401 = arith.addf %add3A_395, %mul3A_400 : vector<16xf32>
          %get3A_402 = arith.index_cast %add3A_358 : i32 to index
          %get3A_403 = arith.constant 0 : index
          %get3A_404 = tpu.vector_load %arg17[%get3A_402, %get3A_403] {strides = array<i32>} : memref<128x96xf32, #tpu.memory_space<vmem>>, vector<1x16xf32>,
          %get3A_405 = vector.shape_cast %get3A_404 : vector<1x16xf32> to vector<16xf32>
          %mul3A_406 = arith.mulf %get3A_405, %gather3A_384 : vector<16xf32>
          %add3A_407 = arith.addf %add3A_401, %mul3A_406 : vector<16xf32>
          %swap3A = arith.index_cast %add3A_358 : i32 to index
          %swap3A_408 = arith.constant 0 : index
          %swap3A_409 = tpu.vector_load %arg19[%swap3A, %swap3A_408] {strides = array<i32>} : memref<128x96xf32, #tpu.memory_space<vmem>>, vector<1x16xf32>,
          %swap3A_410 = vector.shape_cast %swap3A_409 : vector<1x16xf32> to vector<16xf32>
          %swap3A_411 = vector.shape_cast %add3A_407 : vector<16xf32> to vector<1x16xf32>
          tpu.vector_store %arg19[%swap3A, %swap3A_408], %swap3A_411 {strides = array<i32>} : memref<128x96xf32, #tpu.memory_space<vmem>>, vector<1x16xf32>,
          %get3A_412 = arith.index_cast %add3A_358 : i32 to index
          %get3A_413 = arith.constant 16 : index
          %get3A_414 = tpu.vector_load %arg14[%get3A_412, %get3A_413] {strides = array<i32>} : memref<128x96xf32, #tpu.memory_space<vmem>>, vector<1x16xf32>,
          %get3A_415 = vector.shape_cast %get3A_414 : vector<1x16xf32> to vector<16xf32>
          %mul3A_416 = arith.mulf %get3A_415, %gather3A_363 : vector<16xf32>
          %get3A_417 = arith.index_cast %add3A_358 : i32 to index
          %get3A_418 = arith.constant 16 : index
          %get3A_419 = tpu.vector_load %arg15[%get3A_417, %get3A_418] {strides = array<i32>} : memref<128x96xf32, #tpu.memory_space<vmem>>, vector<1x16xf32>,
          %get3A_420 = vector.shape_cast %get3A_419 : vector<1x16xf32> to vector<16xf32>
          %mul3A_421 = arith.mulf %get3A_420, %gather3A_370 : vector<16xf32>
          %add3A_422 = arith.addf %mul3A_416, %mul3A_421 : vector<16xf32>
          %get3A_423 = arith.index_cast %add3A_358 : i32 to index
          %get3A_424 = arith.constant 16 : index
          %get3A_425 = tpu.vector_load %arg16[%get3A_423, %get3A_424] {strides = array<i32>} : memref<128x96xf32, #tpu.memory_space<vmem>>, vector<1x16xf32>,
          %get3A_426 = vector.shape_cast %get3A_425 : vector<1x16xf32> to vector<16xf32>
          %mul3A_427 = arith.mulf %get3A_426, %gather3A_377 : vector<16xf32>
          %add3A_428 = arith.addf %add3A_422, %mul3A_427 : vector<16xf32>
          %get3A_429 = arith.index_cast %add3A_358 : i32 to index
          %get3A_430 = arith.constant 16 : index
          %get3A_431 = tpu.vector_load %arg17[%get3A_429, %get3A_430] {strides = array<i32>} : memref<128x96xf32, #tpu.memory_space<vmem>>, vector<1x16xf32>,
          %get3A_432 = vector.shape_cast %get3A_431 : vector<1x16xf32> to vector<16xf32>
          %mul3A_433 = arith.mulf %get3A_432, %gather3A_384 : vector<16xf32>
          %add3A_434 = arith.addf %add3A_428, %mul3A_433 : vector<16xf32>
          %swap3A_435 = arith.index_cast %add3A_358 : i32 to index
          %swap3A_436 = arith.constant 16 : index
          %swap3A_437 = tpu.vector_load %arg19[%swap3A_435, %swap3A_436] {strides = array<i32>} : memref<128x96xf32, #tpu.memory_space<vmem>>, vector<1x16xf32>,
          %swap3A_438 = vector.shape_cast %swap3A_437 : vector<1x16xf32> to vector<16xf32>
          %swap3A_439 = vector.shape_cast %add3A_434 : vector<16xf32> to vector<1x16xf32>
          tpu.vector_store %arg19[%swap3A_435, %swap3A_436], %swap3A_439 {strides = array<i32>} : memref<128x96xf32, #tpu.memory_space<vmem>>, vector<1x16xf32>,
          %get3A_440 = arith.index_cast %add3A_358 : i32 to index
          %get3A_441 = arith.constant 32 : index
          %get3A_442 = tpu.vector_load %arg14[%get3A_440, %get3A_441] {strides = array<i32>} : memref<128x96xf32, #tpu.memory_space<vmem>>, vector<1x16xf32>,
          %get3A_443 = vector.shape_cast %get3A_442 : vector<1x16xf32> to vector<16xf32>
          %mul3A_444 = arith.mulf %get3A_443, %gather3A_363 : vector<16xf32>
          %get3A_445 = arith.index_cast %add3A_358 : i32 to index
          %get3A_446 = arith.constant 32 : index
          %get3A_447 = tpu.vector_load %arg15[%get3A_445, %get3A_446] {strides = array<i32>} : memref<128x96xf32, #tpu.memory_space<vmem>>, vector<1x16xf32>,
          %get3A_448 = vector.shape_cast %get3A_447 : vector<1x16xf32> to vector<16xf32>
          %mul3A_449 = arith.mulf %get3A_448, %gather3A_370 : vector<16xf32>
          %add3A_450 = arith.addf %mul3A_444, %mul3A_449 : vector<16xf32>
          %get3A_451 = arith.index_cast %add3A_358 : i32 to index
          %get3A_452 = arith.constant 32 : index
          %get3A_453 = tpu.vector_load %arg16[%get3A_451, %get3A_452] {strides = array<i32>} : memref<128x96xf32, #tpu.memory_space<vmem>>, vector<1x16xf32>,
          %get3A_454 = vector.shape_cast %get3A_453 : vector<1x16xf32> to vector<16xf32>
          %mul3A_455 = arith.mulf %get3A_454, %gather3A_377 : vector<16xf32>
          %add3A_456 = arith.addf %add3A_450, %mul3A_455 : vector<16xf32>
          %get3A_457 = arith.index_cast %add3A_358 : i32 to index
          %get3A_458 = arith.constant 32 : index
          %get3A_459 = tpu.vector_load %arg17[%get3A_457, %get3A_458] {strides = array<i32>} : memref<128x96xf32, #tpu.memory_space<vmem>>, vector<1x16xf32>,
          %get3A_460 = vector.shape_cast %get3A_459 : vector<1x16xf32> to vector<16xf32>
          %mul3A_461 = arith.mulf %get3A_460, %gather3A_384 : vector<16xf32>
          %add3A_462 = arith.addf %add3A_456, %mul3A_461 : vector<16xf32>
          %swap3A_463 = arith.index_cast %add3A_358 : i32 to index
          %swap3A_464 = arith.constant 32 : index
          %swap3A_465 = tpu.vector_load %arg19[%swap3A_463, %swap3A_464] {strides = array<i32>} : memref<128x96xf32, #tpu.memory_space<vmem>>, vector<1x16xf32>,
          %swap3A_466 = vector.shape_cast %swap3A_465 : vector<1x16xf32> to vector<16xf32>
          %swap3A_467 = vector.shape_cast %add3A_462 : vector<16xf32> to vector<1x16xf32>
          tpu.vector_store %arg19[%swap3A_463, %swap3A_464], %swap3A_467 {strides = array<i32>} : memref<128x96xf32, #tpu.memory_space<vmem>>, vector<1x16xf32>,
          %get3A_468 = arith.index_cast %add3A_358 : i32 to index
          %get3A_469 = arith.constant 48 : index
          %get3A_470 = tpu.vector_load %arg14[%get3A_468, %get3A_469] {strides = array<i32>} : memref<128x96xf32, #tpu.memory_space<vmem>>, vector<1x16xf32>,
          %get3A_471 = vector.shape_cast %get3A_470 : vector<1x16xf32> to vector<16xf32>
          %mul3A_472 = arith.mulf %get3A_471, %gather3A_363 : vector<16xf32>
          %get3A_473 = arith.index_cast %add3A_358 : i32 to index
          %get3A_474 = arith.constant 48 : index
          %get3A_475 = tpu.vector_load %arg15[%get3A_473, %get3A_474] {strides = array<i32>} : memref<128x96xf32, #tpu.memory_space<vmem>>, vector<1x16xf32>,
          %get3A_476 = vector.shape_cast %get3A_475 : vector<1x16xf32> to vector<16xf32>
          %mul3A_477 = arith.mulf %get3A_476, %gather3A_370 : vector<16xf32>
          %add3A_478 = arith.addf %mul3A_472, %mul3A_477 : vector<16xf32>
          %get3A_479 = arith.index_cast %add3A_358 : i32 to index
          %get3A_480 = arith.constant 48 : index
          %get3A_481 = tpu.vector_load %arg16[%get3A_479, %get3A_480] {strides = array<i32>} : memref<128x96xf32, #tpu.memory_space<vmem>>, vector<1x16xf32>,
          %get3A_482 = vector.shape_cast %get3A_481 : vector<1x16xf32> to vector<16xf32>
          %mul3A_483 = arith.mulf %get3A_482, %gather3A_377 : vector<16xf32>
          %add3A_484 = arith.addf %add3A_478, %mul3A_483 : vector<16xf32>
          %get3A_485 = arith.index_cast %add3A_358 : i32 to index
          %get3A_486 = arith.constant 48 : index
          %get3A_487 = tpu.vector_load %arg17[%get3A_485, %get3A_486] {strides = array<i32>} : memref<128x96xf32, #tpu.memory_space<vmem>>, vector<1x16xf32>,
          %get3A_488 = vector.shape_cast %get3A_487 : vector<1x16xf32> to vector<16xf32>
          %mul3A_489 = arith.mulf %get3A_488, %gather3A_384 : vector<16xf32>
          %add3A_490 = arith.addf %add3A_484, %mul3A_489 : vector<16xf32>
          %swap3A_491 = arith.index_cast %add3A_358 : i32 to index
          %swap3A_492 = arith.constant 48 : index
          %swap3A_493 = tpu.vector_load %arg19[%swap3A_491, %swap3A_492] {strides = array<i32>} : memref<128x96xf32, #tpu.memory_space<vmem>>, vector<1x16xf32>,
          %swap3A_494 = vector.shape_cast %swap3A_493 : vector<1x16xf32> to vector<16xf32>
          %swap3A_495 = vector.shape_cast %add3A_490 : vector<16xf32> to vector<1x16xf32>
          tpu.vector_store %arg19[%swap3A_491, %swap3A_492], %swap3A_495 {strides = array<i32>} : memref<128x96xf32, #tpu.memory_space<vmem>>, vector<1x16xf32>,
          %get3A_496 = arith.index_cast %add3A_358 : i32 to index
          %get3A_497 = arith.constant 64 : index
          %get3A_498 = tpu.vector_load %arg14[%get3A_496, %get3A_497] {strides = array<i32>} : memref<128x96xf32, #tpu.memory_space<vmem>>, vector<1x16xf32>,
          %get3A_499 = vector.shape_cast %get3A_498 : vector<1x16xf32> to vector<16xf32>
          %mul3A_500 = arith.mulf %get3A_499, %gather3A_363 : vector<16xf32>
          %get3A_501 = arith.index_cast %add3A_358 : i32 to index
          %get3A_502 = arith.constant 64 : index
          %get3A_503 = tpu.vector_load %arg15[%get3A_501, %get3A_502] {strides = array<i32>} : memref<128x96xf32, #tpu.memory_space<vmem>>, vector<1x16xf32>,
          %get3A_504 = vector.shape_cast %get3A_503 : vector<1x16xf32> to vector<16xf32>
          %mul3A_505 = arith.mulf %get3A_504, %gather3A_370 : vector<16xf32>
          %add3A_506 = arith.addf %mul3A_500, %mul3A_505 : vector<16xf32>
          %get3A_507 = arith.index_cast %add3A_358 : i32 to index
          %get3A_508 = arith.constant 64 : index
          %get3A_509 = tpu.vector_load %arg16[%get3A_507, %get3A_508] {strides = array<i32>} : memref<128x96xf32, #tpu.memory_space<vmem>>, vector<1x16xf32>,
          %get3A_510 = vector.shape_cast %get3A_509 : vector<1x16xf32> to vector<16xf32>
          %mul3A_511 = arith.mulf %get3A_510, %gather3A_377 : vector<16xf32>
          %add3A_512 = arith.addf %add3A_506, %mul3A_511 : vector<16xf32>
          %get3A_513 = arith.index_cast %add3A_358 : i32 to index
          %get3A_514 = arith.constant 64 : index
          %get3A_515 = tpu.vector_load %arg17[%get3A_513, %get3A_514] {strides = array<i32>} : memref<128x96xf32, #tpu.memory_space<vmem>>, vector<1x16xf32>,
          %get3A_516 = vector.shape_cast %get3A_515 : vector<1x16xf32> to vector<16xf32>
          %mul3A_517 = arith.mulf %get3A_516, %gather3A_384 : vector<16xf32>
          %add3A_518 = arith.addf %add3A_512, %mul3A_517 : vector<16xf32>
          %swap3A_519 = arith.index_cast %add3A_358 : i32 to index
          %swap3A_520 = arith.constant 64 : index
          %swap3A_521 = tpu.vector_load %arg19[%swap3A_519, %swap3A_520] {strides = array<i32>} : memref<128x96xf32, #tpu.memory_space<vmem>>, vector<1x16xf32>,
          %swap3A_522 = vector.shape_cast %swap3A_521 : vector<1x16xf32> to vector<16xf32>
          %swap3A_523 = vector.shape_cast %add3A_518 : vector<16xf32> to vector<1x16xf32>
          tpu.vector_store %arg19[%swap3A_519, %swap3A_520], %swap3A_523 {strides = array<i32>} : memref<128x96xf32, #tpu.memory_space<vmem>>, vector<1x16xf32>,
          %get3A_524 = arith.index_cast %add3A_358 : i32 to index
          %get3A_525 = arith.constant 80 : index
          %get3A_526 = tpu.vector_load %arg14[%get3A_524, %get3A_525] {strides = array<i32>} : memref<128x96xf32, #tpu.memory_space<vmem>>, vector<1x16xf32>,
          %get3A_527 = vector.shape_cast %get3A_526 : vector<1x16xf32> to vector<16xf32>
          %mul3A_528 = arith.mulf %get3A_527, %gather3A_363 : vector<16xf32>
          %get3A_529 = arith.index_cast %add3A_358 : i32 to index
          %get3A_530 = arith.constant 80 : index
          %get3A_531 = tpu.vector_load %arg15[%get3A_529, %get3A_530] {strides = array<i32>} : memref<128x96xf32, #tpu.memory_space<vmem>>, vector<1x16xf32>,
          %get3A_532 = vector.shape_cast %get3A_531 : vector<1x16xf32> to vector<16xf32>
          %mul3A_533 = arith.mulf %get3A_532, %gather3A_370 : vector<16xf32>
          %add3A_534 = arith.addf %mul3A_528, %mul3A_533 : vector<16xf32>
          %get3A_535 = arith.index_cast %add3A_358 : i32 to index
          %get3A_536 = arith.constant 80 : index
          %get3A_537 = tpu.vector_load %arg16[%get3A_535, %get3A_536] {strides = array<i32>} : memref<128x96xf32, #tpu.memory_space<vmem>>, vector<1x16xf32>,
          %get3A_538 = vector.shape_cast %get3A_537 : vector<1x16xf32> to vector<16xf32>
          %mul3A_539 = arith.mulf %get3A_538, %gather3A_377 : vector<16xf32>
          %add3A_540 = arith.addf %add3A_534, %mul3A_539 : vector<16xf32>
          %get3A_541 = arith.index_cast %add3A_358 : i32 to index
          %get3A_542 = arith.constant 80 : index
          %get3A_543 = tpu.vector_load %arg17[%get3A_541, %get3A_542] {strides = array<i32>} : memref<128x96xf32, #tpu.memory_space<vmem>>, vector<1x16xf32>,
          %get3A_544 = vector.shape_cast %get3A_543 : vector<1x16xf32> to vector<16xf32>
          %mul3A_545 = arith.mulf %get3A_544, %gather3A_384 : vector<16xf32>
          %add3A_546 = arith.addf %add3A_540, %mul3A_545 : vector<16xf32>
          %swap3A_547 = arith.index_cast %add3A_358 : i32 to index
          %swap3A_548 = arith.constant 80 : index
          %swap3A_549 = tpu.vector_load %arg19[%swap3A_547, %swap3A_548] {strides = array<i32>} : memref<128x96xf32, #tpu.memory_space<vmem>>, vector<1x16xf32>,
          %swap3A_550 = vector.shape_cast %swap3A_549 : vector<1x16xf32> to vector<16xf32>
          %swap3A_551 = vector.shape_cast %add3A_546 : vector<16xf32> to vector<1x16xf32>
          tpu.vector_store %arg19[%swap3A_547, %swap3A_548], %swap3A_551 {strides = array<i32>} : memref<128x96xf32, #tpu.memory_space<vmem>>, vector<1x16xf32>,
          %scan3A_552 = arith.constant 0 : i32
          scf.yield %scan3A_552 : i32
        }
        %scan3A_354 = arith.constant 16 : i32
        %scan3A_355 = arith.constant 0 : i32
        scf.yield %scan3A_355 : i32
      }
      %scan3A_306 = arith.constant 8 : i32
      %add3A_307 = arith.constant 1 : i32
      %add3A_308 = arith.addi %mul3A_131, %add3A_307 : i32
      %mul3A_309 = arith.constant 128 : i32
      %mul3A_310 = arith.muli %add3A_308, %mul3A_309 : i32
      %add3A_311 = arith.addi %mul3A_32, %mul3A_310 : i32
      "tpu.region"() ({
        %run_scoped3A = tpu.sem_alloc : memref<!tpu.dma_semaphore, #tpu.memory_space<semaphore_mem>>
        %dma_start3A_325 = arith.constant 0 : i32
        %dma_start3A_326 = tpu.memref_slice %arg5[%select_n3A, %add3A_311, %dma_start3A_325] : memref<4x50176x96xf32, #tpu.memory_space<hbm>> -> memref<1x128x96xf32, #tpu.memory_space<hbm>>
        %dma_start3A_327 = tpu.memref_squeeze %dma_start3A_326 : memref<1x128x96xf32, #tpu.memory_space<hbm>> -> memref<128x96xf32, #tpu.memory_space<hbm>>
        %dma_start3A_328 = arith.constant 0 : i32
        %dma_start3A_329 = tpu.memref_slice %arg5[%select_n3A, %add3A_311, %dma_start3A_328] : memref<4x50176x96xf32, #tpu.memory_space<hbm>> -> memref<1x128x96xf32, #tpu.memory_space<hbm>>
        %dma_start3A_330 = tpu.memref_squeeze %dma_start3A_329 : memref<1x128x96xf32, #tpu.memory_space<hbm>> -> memref<128x96xf32, #tpu.memory_space<hbm>>
        tpu.enqueue_dma source(%arg19 : memref<128x96xf32, #tpu.memory_space<vmem>>) target(%dma_start3A_330 : memref<128x96xf32, #tpu.memory_space<hbm>>) target_semaphore(%run_scoped3A : memref<!tpu.dma_semaphore, #tpu.memory_space<semaphore_mem>>)
        %dma_wait3A_331 = arith.constant 0 : i32
        %dma_wait3A_332 = tpu.memref_slice %arg5[%select_n3A, %add3A_311, %dma_wait3A_331] : memref<4x50176x96xf32, #tpu.memory_space<hbm>> -> memref<1x128x96xf32, #tpu.memory_space<hbm>>
        %dma_wait3A_333 = tpu.memref_squeeze %dma_wait3A_332 : memref<1x128x96xf32, #tpu.memory_space<hbm>> -> memref<128x96xf32, #tpu.memory_space<hbm>>
        %dma_wait3A_334 = arith.constant 0 : i32
        %dma_wait3A_335 = tpu.memref_slice %arg5[%select_n3A, %add3A_311, %dma_wait3A_334] : memref<4x50176x96xf32, #tpu.memory_space<hbm>> -> memref<1x128x96xf32, #tpu.memory_space<hbm>>
        %dma_wait3A_336 = tpu.memref_squeeze %dma_wait3A_335 : memref<1x128x96xf32, #tpu.memory_space<hbm>> -> memref<128x96xf32, #tpu.memory_space<hbm>>
        tpu.wait_dma2 semaphore(%run_scoped3A : memref<!tpu.dma_semaphore, #tpu.memory_space<semaphore_mem>>) src(%arg19 : memref<128x96xf32, #tpu.memory_space<vmem>>) dst(%dma_wait3A_336 : memref<128x96xf32, #tpu.memory_space<hbm>>)
        tpu.yield
      }) : () -> ()
      %dma_wait3A_312 = arith.constant 0 : i32
      %dma_wait3A_313 = tpu.memref_slice %arg3[%select_n3A, %dma_wait3A_312, %add3A_259] : memref<4x4x50176xi32, #tpu.memory_space<hbm>> -> memref<1x4x128xi32, #tpu.memory_space<hbm>>
      %dma_wait3A_314 = tpu.memref_squeeze %dma_wait3A_313 : memref<1x4x128xi32, #tpu.memory_space<hbm>> -> memref<4x128xi32, #tpu.memory_space<hbm>>
      %dma_wait3A_315 = arith.constant 0 : i32
      %dma_wait3A_316 = tpu.memref_slice %arg3[%select_n3A, %dma_wait3A_315, %add3A_259] : memref<4x4x50176xi32, #tpu.memory_space<hbm>> -> memref<1x4x128xi32, #tpu.memory_space<hbm>>
      %dma_wait3A_317 = tpu.memref_squeeze %dma_wait3A_316 : memref<1x4x128xi32, #tpu.memory_space<hbm>> -> memref<4x128xi32, #tpu.memory_space<hbm>>
      tpu.wait_dma2 semaphore(%arg20 : memref<!tpu.dma_semaphore, #tpu.memory_space<semaphore_mem>>) src(%dma_wait3A_317 : memref<4x128xi32, #tpu.memory_space<hbm>>) dst(%arg6 : memref<4x128xi32, #tpu.memory_space<vmem>>)
      %dma_wait3A_318 = arith.constant 0 : i32
      %dma_wait3A_319 = tpu.memref_slice %arg4[%select_n3A, %dma_wait3A_318, %add3A_259] : memref<4x4x50176xf32, #tpu.memory_space<hbm>> -> memref<1x4x128xf32, #tpu.memory_space<hbm>>
      %dma_wait3A_320 = tpu.memref_squeeze %dma_wait3A_319 : memref<1x4x128xf32, #tpu.memory_space<hbm>> -> memref<4x128xf32, #tpu.memory_space<hbm>>
      %dma_wait3A_321 = arith.constant 0 : i32
      %dma_wait3A_322 = tpu.memref_slice %arg4[%select_n3A, %dma_wait3A_321, %add3A_259] : memref<4x4x50176xf32, #tpu.memory_space<hbm>> -> memref<1x4x128xf32, #tpu.memory_space<hbm>>
      %dma_wait3A_323 = tpu.memref_squeeze %dma_wait3A_322 : memref<1x4x128xf32, #tpu.memory_space<hbm>> -> memref<4x128xf32, #tpu.memory_space<hbm>>
      tpu.wait_dma2 semaphore(%arg21 : memref<!tpu.dma_semaphore, #tpu.memory_space<semaphore_mem>>) src(%dma_wait3A_323 : memref<4x128xf32, #tpu.memory_space<hbm>>) dst(%arg8 : memref<4x128xf32, #tpu.memory_space<vmem>>)
      %scan3A_324 = arith.constant 0 : i32
      scf.yield %scan3A_324 : i32
    }
    %scan3A_62 = arith.constant 24 : i32
    %dma_start3A_63 = arith.constant 0 : i32
    %dma_start3A_64 = arith.constant 0 : i32
    %dma_start3A_65 = tpu.memref_slice %arg6[%dma_start3A_63, %dma_start3A_64] : memref<4x128xi32, #tpu.memory_space<vmem>> -> memref<1x128xi32, #tpu.memory_space<vmem>>
    %dma_start3A_66 = tpu.memref_squeeze %dma_start3A_65 : memref<1x128xi32, #tpu.memory_space<vmem>> -> memref<128xi32, #tpu.memory_space<vmem>>
    %dma_start3A_67 = arith.constant 0 : i32
    %dma_start3A_68 = arith.constant 0 : i32
    %dma_start3A_69 = tpu.memref_slice %arg2[%dma_start3A_67, %dma_start3A_68] : memref<204304x96xf32, #tpu.memory_space<hbm>> -> memref<204304x96xf32, #tpu.memory_space<hbm>>
    tpu.enqueue_indirect_dma source(%dma_start3A_69 : memref<204304x96xf32, #tpu.memory_space<hbm>>) target(%arg10 : memref<128x96xf32, #tpu.memory_space<vmem>>) offsets(%dma_start3A_66 : memref<128xi32, #tpu.memory_space<vmem>>) semaphore(%arg24 : memref<!tpu.dma_semaphore, #tpu.memory_space<semaphore_mem>>)
    %dma_start3A_70 = arith.constant 1 : i32
    %dma_start3A_71 = arith.constant 0 : i32
    %dma_start3A_72 = tpu.memref_slice %arg6[%dma_start3A_70, %dma_start3A_71] : memref<4x128xi32, #tpu.memory_space<vmem>> -> memref<1x128xi32, #tpu.memory_space<vmem>>
    %dma_start3A_73 = tpu.memref_squeeze %dma_start3A_72 : memref<1x128xi32, #tpu.memory_space<vmem>> -> memref<128xi32, #tpu.memory_space<vmem>>
    %dma_start3A_74 = arith.constant 0 : i32
    %dma_start3A_75 = arith.constant 0 : i32
    %dma_start3A_76 = tpu.memref_slice %arg2[%dma_start3A_74, %dma_start3A_75] : memref<204304x96xf32, #tpu.memory_space<hbm>> -> memref<204304x96xf32, #tpu.memory_space<hbm>>
    tpu.enqueue_indirect_dma source(%dma_start3A_76 : memref<204304x96xf32, #tpu.memory_space<hbm>>) target(%arg11 : memref<128x96xf32, #tpu.memory_space<vmem>>) offsets(%dma_start3A_73 : memref<128xi32, #tpu.memory_space<vmem>>) semaphore(%arg25 : memref<!tpu.dma_semaphore, #tpu.memory_space<semaphore_mem>>)
    %dma_start3A_77 = arith.constant 2 : i32
    %dma_start3A_78 = arith.constant 0 : i32
    %dma_start3A_79 = tpu.memref_slice %arg6[%dma_start3A_77, %dma_start3A_78] : memref<4x128xi32, #tpu.memory_space<vmem>> -> memref<1x128xi32, #tpu.memory_space<vmem>>
    %dma_start3A_80 = tpu.memref_squeeze %dma_start3A_79 : memref<1x128xi32, #tpu.memory_space<vmem>> -> memref<128xi32, #tpu.memory_space<vmem>>
    %dma_start3A_81 = arith.constant 0 : i32
    %dma_start3A_82 = arith.constant 0 : i32
    %dma_start3A_83 = tpu.memref_slice %arg2[%dma_start3A_81, %dma_start3A_82] : memref<204304x96xf32, #tpu.memory_space<hbm>> -> memref<204304x96xf32, #tpu.memory_space<hbm>>
    tpu.enqueue_indirect_dma source(%dma_start3A_83 : memref<204304x96xf32, #tpu.memory_space<hbm>>) target(%arg12 : memref<128x96xf32, #tpu.memory_space<vmem>>) offsets(%dma_start3A_80 : memref<128xi32, #tpu.memory_space<vmem>>) semaphore(%arg26 : memref<!tpu.dma_semaphore, #tpu.memory_space<semaphore_mem>>)
    %dma_start3A_84 = arith.constant 3 : i32
    %dma_start3A_85 = arith.constant 0 : i32
    %dma_start3A_86 = tpu.memref_slice %arg6[%dma_start3A_84, %dma_start3A_85] : memref<4x128xi32, #tpu.memory_space<vmem>> -> memref<1x128xi32, #tpu.memory_space<vmem>>
    %dma_start3A_87 = tpu.memref_squeeze %dma_start3A_86 : memref<1x128xi32, #tpu.memory_space<vmem>> -> memref<128xi32, #tpu.memory_space<vmem>>
    %dma_start3A_88 = arith.constant 0 : i32
    %dma_start3A_89 = arith.constant 0 : i32
    %dma_start3A_90 = tpu.memref_slice %arg2[%dma_start3A_88, %dma_start3A_89] : memref<204304x96xf32, #tpu.memory_space<hbm>> -> memref<204304x96xf32, #tpu.memory_space<hbm>>
    tpu.enqueue_indirect_dma source(%dma_start3A_90 : memref<204304x96xf32, #tpu.memory_space<hbm>>) target(%arg13 : memref<128x96xf32, #tpu.memory_space<vmem>>) offsets(%dma_start3A_87 : memref<128xi32, #tpu.memory_space<vmem>>) semaphore(%arg27 : memref<!tpu.dma_semaphore, #tpu.memory_space<semaphore_mem>>)
    %dma_wait3A_91 = arith.constant 0 : i32
    %dma_wait3A_92 = arith.constant 0 : i32
    %dma_wait3A_93 = tpu.memref_slice %arg6[%dma_wait3A_91, %dma_wait3A_92] : memref<4x128xi32, #tpu.memory_space<vmem>> -> memref<1x128xi32, #tpu.memory_space<vmem>>
    %dma_wait3A_94 = tpu.memref_squeeze %dma_wait3A_93 : memref<1x128xi32, #tpu.memory_space<vmem>> -> memref<128xi32, #tpu.memory_space<vmem>>
    %dma_wait3A_95 = arith.constant 0 : i32
    %dma_wait3A_96 = arith.constant 0 : i32
    %dma_wait3A_97 = tpu.memref_slice %arg2[%dma_wait3A_95, %dma_wait3A_96] : memref<204304x96xf32, #tpu.memory_space<hbm>> -> memref<204304x96xf32, #tpu.memory_space<hbm>>
    tpu.wait_indirect_dma semaphore(%arg24 : memref<!tpu.dma_semaphore, #tpu.memory_space<semaphore_mem>>) src(%dma_wait3A_97 : memref<204304x96xf32, #tpu.memory_space<hbm>>) dst(%arg10 : memref<128x96xf32, #tpu.memory_space<vmem>>)
    %dma_wait3A_98 = arith.constant 1 : i32
    %dma_wait3A_99 = arith.constant 0 : i32
    %dma_wait3A_100 = tpu.memref_slice %arg6[%dma_wait3A_98, %dma_wait3A_99] : memref<4x128xi32, #tpu.memory_space<vmem>> -> memref<1x128xi32, #tpu.memory_space<vmem>>
    %dma_wait3A_101 = tpu.memref_squeeze %dma_wait3A_100 : memref<1x128xi32, #tpu.memory_space<vmem>> -> memref<128xi32, #tpu.memory_space<vmem>>
    %dma_wait3A_102 = arith.constant 0 : i32
    %dma_wait3A_103 = arith.constant 0 : i32
    %dma_wait3A_104 = tpu.memref_slice %arg2[%dma_wait3A_102, %dma_wait3A_103] : memref<204304x96xf32, #tpu.memory_space<hbm>> -> memref<204304x96xf32, #tpu.memory_space<hbm>>
    tpu.wait_indirect_dma semaphore(%arg25 : memref<!tpu.dma_semaphore, #tpu.memory_space<semaphore_mem>>) src(%dma_wait3A_104 : memref<204304x96xf32, #tpu.memory_space<hbm>>) dst(%arg11 : memref<128x96xf32, #tpu.memory_space<vmem>>)
    %dma_wait3A_105 = arith.constant 2 : i32
    %dma_wait3A_106 = arith.constant 0 : i32
    %dma_wait3A_107 = tpu.memref_slice %arg6[%dma_wait3A_105, %dma_wait3A_106] : memref<4x128xi32, #tpu.memory_space<vmem>> -> memref<1x128xi32, #tpu.memory_space<vmem>>
    %dma_wait3A_108 = tpu.memref_squeeze %dma_wait3A_107 : memref<1x128xi32, #tpu.memory_space<vmem>> -> memref<128xi32, #tpu.memory_space<vmem>>
    %dma_wait3A_109 = arith.constant 0 : i32
    %dma_wait3A_110 = arith.constant 0 : i32
    %dma_wait3A_111 = tpu.memref_slice %arg2[%dma_wait3A_109, %dma_wait3A_110] : memref<204304x96xf32, #tpu.memory_space<hbm>> -> memref<204304x96xf32, #tpu.memory_space<hbm>>
    tpu.wait_indirect_dma semaphore(%arg26 : memref<!tpu.dma_semaphore, #tpu.memory_space<semaphore_mem>>) src(%dma_wait3A_111 : memref<204304x96xf32, #tpu.memory_space<hbm>>) dst(%arg12 : memref<128x96xf32, #tpu.memory_space<vmem>>)
    %dma_wait3A_112 = arith.constant 3 : i32
    %dma_wait3A_113 = arith.constant 0 : i32
    %dma_wait3A_114 = tpu.memref_slice %arg6[%dma_wait3A_112, %dma_wait3A_113] : memref<4x128xi32, #tpu.memory_space<vmem>> -> memref<1x128xi32, #tpu.memory_space<vmem>>
    %dma_wait3A_115 = tpu.memref_squeeze %dma_wait3A_114 : memref<1x128xi32, #tpu.memory_space<vmem>> -> memref<128xi32, #tpu.memory_space<vmem>>
    %dma_wait3A_116 = arith.constant 0 : i32
    %dma_wait3A_117 = arith.constant 0 : i32
    %dma_wait3A_118 = tpu.memref_slice %arg2[%dma_wait3A_116, %dma_wait3A_117] : memref<204304x96xf32, #tpu.memory_space<hbm>> -> memref<204304x96xf32, #tpu.memory_space<hbm>>
    tpu.wait_indirect_dma semaphore(%arg27 : memref<!tpu.dma_semaphore, #tpu.memory_space<semaphore_mem>>) src(%dma_wait3A_118 : memref<204304x96xf32, #tpu.memory_space<hbm>>) dst(%arg13 : memref<128x96xf32, #tpu.memory_space<vmem>>)
    %scan3A_119 = arith.constant 0 : i32
    %scan3A_120 = arith.constant 0 : i32
    %scan3A_121 = arith.constant 8 : i32
    %scan3A_122 = arith.addi %scan3A_120, %scan3A_121 : i32
    %scan3A_123 = arith.constant 1 : i32
    %scan3A_124 = scf.for %scan3A_128 = %scan3A_120 to %scan3A_122 step %scan3A_123 iter_args(%scan3A_129 = %scan3A_119) -> (i32)  : i32 {
      %mul3A_130 = arith.constant 16 : i32
      %mul3A_131 = arith.muli %scan3A_128, %mul3A_130 : i32
      %multiple_of3A = tpu.assume_multiple %mul3A_131, 16 : i32
      %get3A = arith.constant 0 : i32
      %get3A_132 = arith.index_cast %get3A : i32 to index
      %get3A_133 = arith.index_cast %multiple_of3A : i32 to index
      %get3A_134 = tpu.vector_load %arg8[%get3A_132, %get3A_133] {strides = array<i32>} : memref<4x128xf32, #tpu.memory_space<vmem>>, vector<1x16xf32>,
      %get3A_135 = vector.shape_cast %get3A_134 : vector<1x16xf32> to vector<16xf32>
      %get3A_136 = arith.constant 1 : i32
      %get3A_137 = arith.index_cast %get3A_136 : i32 to index
      %get3A_138 = arith.index_cast %multiple_of3A : i32 to index
      %get3A_139 = tpu.vector_load %arg8[%get3A_137, %get3A_138] {strides = array<i32>} : memref<4x128xf32, #tpu.memory_space<vmem>>, vector<1x16xf32>,
      %get3A_140 = vector.shape_cast %get3A_139 : vector<1x16xf32> to vector<16xf32>
      %get3A_141 = arith.constant 2 : i32
      %get3A_142 = arith.index_cast %get3A_141 : i32 to index
      %get3A_143 = arith.index_cast %multiple_of3A : i32 to index
      %get3A_144 = tpu.vector_load %arg8[%get3A_142, %get3A_143] {strides = array<i32>} : memref<4x128xf32, #tpu.memory_space<vmem>>, vector<1x16xf32>,
      %get3A_145 = vector.shape_cast %get3A_144 : vector<1x16xf32> to vector<16xf32>
      %get3A_146 = arith.constant 3 : i32
      %get3A_147 = arith.index_cast %get3A_146 : i32 to index
      %get3A_148 = arith.index_cast %multiple_of3A : i32 to index
      %get3A_149 = tpu.vector_load %arg8[%get3A_147, %get3A_148] {strides = array<i32>} : memref<4x128xf32, #tpu.memory_space<vmem>>, vector<1x16xf32>,
      %get3A_150 = vector.shape_cast %get3A_149 : vector<1x16xf32> to vector<16xf32>
      %scan3A_151 = arith.constant 0 : i32
      %scan3A_152 = arith.constant 0 : i32
      %scan3A_153 = arith.constant 16 : i32
      %scan3A_154 = arith.addi %scan3A_152, %scan3A_153 : i32
      %scan3A_155 = arith.constant 1 : i32
      %scan3A_156 = scf.for %scan3A_159 = %scan3A_152 to %scan3A_154 step %scan3A_155 iter_args(%scan3A_160 = %scan3A_151) -> (i32)  : i32 {
        %add3A_161 = arith.addi %multiple_of3A, %scan3A_159 : i32
        %broadcast_in_dim3A = arith.constant 0 : i32
        %broadcast_in_dim3A_162 = vector.broadcast %broadcast_in_dim3A : i32 to vector<16xi32>
        %add3A_163 = vector.broadcast %scan3A_159 : i32 to vector<16xi32>
        %add3A_164 = arith.addi %broadcast_in_dim3A_162, %add3A_163 : vector<16xi32>
        %broadcast_in_dim3A_165 = vector.shape_cast %add3A_164 : vector<16xi32> to vector<16x1xi32>
        %gather3A = vector.shape_cast %broadcast_in_dim3A_165 : vector<16x1xi32> to vector<16xi32>
        %gather3A_166 = tpu.dynamic_gather %get3A_135[%gather3A] in [0] : vector<16xf32>, vector<16xi32> -> vector<16xf32>
        %broadcast_in_dim3A_167 = arith.constant 0 : i32
        %broadcast_in_dim3A_168 = vector.broadcast %broadcast_in_dim3A_167 : i32 to vector<16xi32>
        %add3A_169 = vector.broadcast %scan3A_159 : i32 to vector<16xi32>
        %add3A_170 = arith.addi %broadcast_in_dim3A_168, %add3A_169 : vector<16xi32>
        %broadcast_in_dim3A_171 = vector.shape_cast %add3A_170 : vector<16xi32> to vector<16x1xi32>
        %gather3A_172 = vector.shape_cast %broadcast_in_dim3A_171 : vector<16x1xi32> to vector<16xi32>
        %gather3A_173 = tpu.dynamic_gather %get3A_140[%gather3A_172] in [0] : vector<16xf32>, vector<16xi32> -> vector<16xf32>
        %broadcast_in_dim3A_174 = arith.constant 0 : i32
        %broadcast_in_dim3A_175 = vector.broadcast %broadcast_in_dim3A_174 : i32 to vector<16xi32>
        %add3A_176 = vector.broadcast %scan3A_159 : i32 to vector<16xi32>
        %add3A_177 = arith.addi %broadcast_in_dim3A_175, %add3A_176 : vector<16xi32>
        %broadcast_in_dim3A_178 = vector.shape_cast %add3A_177 : vector<16xi32> to vector<16x1xi32>
        %gather3A_179 = vector.shape_cast %broadcast_in_dim3A_178 : vector<16x1xi32> to vector<16xi32>
        %gather3A_180 = tpu.dynamic_gather %get3A_145[%gather3A_179] in [0] : vector<16xf32>, vector<16xi32> -> vector<16xf32>
        %broadcast_in_dim3A_181 = arith.constant 0 : i32
        %broadcast_in_dim3A_182 = vector.broadcast %broadcast_in_dim3A_181 : i32 to vector<16xi32>
        %add3A_183 = vector.broadcast %scan3A_159 : i32 to vector<16xi32>
        %add3A_184 = arith.addi %broadcast_in_dim3A_182, %add3A_183 : vector<16xi32>
        %broadcast_in_dim3A_185 = vector.shape_cast %add3A_184 : vector<16xi32> to vector<16x1xi32>
        %gather3A_186 = vector.shape_cast %broadcast_in_dim3A_185 : vector<16x1xi32> to vector<16xi32>
        %gather3A_187 = tpu.dynamic_gather %get3A_150[%gather3A_186] in [0] : vector<16xf32>, vector<16xi32> -> vector<16xf32>
        %get3A_188 = arith.index_cast %add3A_161 : i32 to index
        %get3A_189 = arith.constant 0 : index
        %get3A_190 = tpu.vector_load %arg10[%get3A_188, %get3A_189] {strides = array<i32>} : memref<128x96xf32, #tpu.memory_space<vmem>>, vector<1x16xf32>,
        %get3A_191 = vector.shape_cast %get3A_190 : vector<1x16xf32> to vector<16xf32>
        %mul3A_192 = arith.mulf %get3A_191, %gather3A_166 : vector<16xf32>
        %get3A_193 = arith.index_cast %add3A_161 : i32 to index
        %get3A_194 = arith.constant 0 : index
        %get3A_195 = tpu.vector_load %arg11[%get3A_193, %get3A_194] {strides = array<i32>} : memref<128x96xf32, #tpu.memory_space<vmem>>, vector<1x16xf32>,
        %get3A_196 = vector.shape_cast %get3A_195 : vector<1x16xf32> to vector<16xf32>
        %mul3A_197 = arith.mulf %get3A_196, %gather3A_173 : vector<16xf32>
        %add3A_198 = arith.addf %mul3A_192, %mul3A_197 : vector<16xf32>
        %get3A_199 = arith.index_cast %add3A_161 : i32 to index
        %get3A_200 = arith.constant 0 : index
        %get3A_201 = tpu.vector_load %arg12[%get3A_199, %get3A_200] {strides = array<i32>} : memref<128x96xf32, #tpu.memory_space<vmem>>, vector<1x16xf32>,
        %get3A_202 = vector.shape_cast %get3A_201 : vector<1x16xf32> to vector<16xf32>
        %mul3A_203 = arith.mulf %get3A_202, %gather3A_180 : vector<16xf32>
        %add3A_204 = arith.addf %add3A_198, %mul3A_203 : vector<16xf32>
        %get3A_205 = arith.index_cast %add3A_161 : i32 to index
        %get3A_206 = arith.constant 0 : index
        %get3A_207 = tpu.vector_load %arg13[%get3A_205, %get3A_206] {strides = array<i32>} : memref<128x96xf32, #tpu.memory_space<vmem>>, vector<1x16xf32>,
        %get3A_208 = vector.shape_cast %get3A_207 : vector<1x16xf32> to vector<16xf32>
        %mul3A_209 = arith.mulf %get3A_208, %gather3A_187 : vector<16xf32>
        %add3A_210 = arith.addf %add3A_204, %mul3A_209 : vector<16xf32>
        %swap3A = arith.index_cast %add3A_161 : i32 to index
        %swap3A_211 = arith.constant 0 : index
        %swap3A_212 = tpu.vector_load %arg18[%swap3A, %swap3A_211] {strides = array<i32>} : memref<128x96xf32, #tpu.memory_space<vmem>>, vector<1x16xf32>,
        %swap3A_213 = vector.shape_cast %swap3A_212 : vector<1x16xf32> to vector<16xf32>
        %swap3A_214 = vector.shape_cast %add3A_210 : vector<16xf32> to vector<1x16xf32>
        tpu.vector_store %arg18[%swap3A, %swap3A_211], %swap3A_214 {strides = array<i32>} : memref<128x96xf32, #tpu.memory_space<vmem>>, vector<1x16xf32>,
        %get3A_215 = arith.index_cast %add3A_161 : i32 to index
        %get3A_216 = arith.constant 16 : index
        %get3A_217 = tpu.vector_load %arg10[%get3A_215, %get3A_216] {strides = array<i32>} : memref<128x96xf32, #tpu.memory_space<vmem>>, vector<1x16xf32>,
        %get3A_218 = vector.shape_cast %get3A_217 : vector<1x16xf32> to vector<16xf32>
        %mul3A_219 = arith.mulf %get3A_218, %gather3A_166 : vector<16xf32>
        %get3A_220 = arith.index_cast %add3A_161 : i32 to index
        %get3A_221 = arith.constant 16 : index
        %get3A_222 = tpu.vector_load %arg11[%get3A_220, %get3A_221] {strides = array<i32>} : memref<128x96xf32, #tpu.memory_space<vmem>>, vector<1x16xf32>,
        %get3A_223 = vector.shape_cast %get3A_222 : vector<1x16xf32> to vector<16xf32>
        %mul3A_224 = arith.mulf %get3A_223, %gather3A_173 : vector<16xf32>
        %add3A_225 = arith.addf %mul3A_219, %mul3A_224 : vector<16xf32>
        %get3A_226 = arith.index_cast %add3A_161 : i32 to index
        %get3A_227 = arith.constant 16 : index
        %get3A_228 = tpu.vector_load %arg12[%get3A_226, %get3A_227] {strides = array<i32>} : memref<128x96xf32, #tpu.memory_space<vmem>>, vector<1x16xf32>,
        %get3A_229 = vector.shape_cast %get3A_228 : vector<1x16xf32> to vector<16xf32>
        %mul3A_230 = arith.mulf %get3A_229, %gather3A_180 : vector<16xf32>
        %add3A_231 = arith.addf %add3A_225, %mul3A_230 : vector<16xf32>
        %get3A_232 = arith.index_cast %add3A_161 : i32 to index
        %get3A_233 = arith.constant 16 : index
        %get3A_234 = tpu.vector_load %arg13[%get3A_232, %get3A_233] {strides = array<i32>} : memref<128x96xf32, #tpu.memory_space<vmem>>, vector<1x16xf32>,
        %get3A_235 = vector.shape_cast %get3A_234 : vector<1x16xf32> to vector<16xf32>
        %mul3A_236 = arith.mulf %get3A_235, %gather3A_187 : vector<16xf32>
        %add3A_237 = arith.addf %add3A_231, %mul3A_236 : vector<16xf32>
        %swap3A_238 = arith.index_cast %add3A_161 : i32 to index
        %swap3A_239 = arith.constant 16 : index
        %swap3A_240 = tpu.vector_load %arg18[%swap3A_238, %swap3A_239] {strides = array<i32>} : memref<128x96xf32, #tpu.memory_space<vmem>>, vector<1x16xf32>,
        %swap3A_241 = vector.shape_cast %swap3A_240 : vector<1x16xf32> to vector<16xf32>
        %swap3A_242 = vector.shape_cast %add3A_237 : vector<16xf32> to vector<1x16xf32>
        tpu.vector_store %arg18[%swap3A_238, %swap3A_239], %swap3A_242 {strides = array<i32>} : memref<128x96xf32, #tpu.memory_space<vmem>>, vector<1x16xf32>,
        %get3A_243 = arith.index_cast %add3A_161 : i32 to index
        %get3A_244 = arith.constant 32 : index
        %get3A_245 = tpu.vector_load %arg10[%get3A_243, %get3A_244] {strides = array<i32>} : memref<128x96xf32, #tpu.memory_space<vmem>>, vector<1x16xf32>,
        %get3A_246 = vector.shape_cast %get3A_245 : vector<1x16xf32> to vector<16xf32>
        %mul3A_247 = arith.mulf %get3A_246, %gather3A_166 : vector<16xf32>
        %get3A_248 = arith.index_cast %add3A_161 : i32 to index
        %get3A_249 = arith.constant 32 : index
        %get3A_250 = tpu.vector_load %arg11[%get3A_248, %get3A_249] {strides = array<i32>} : memref<128x96xf32, #tpu.memory_space<vmem>>, vector<1x16xf32>,
        %get3A_251 = vector.shape_cast %get3A_250 : vector<1x16xf32> to vector<16xf32>
        %mul3A_252 = arith.mulf %get3A_251, %gather3A_173 : vector<16xf32>
        %add3A_253 = arith.addf %mul3A_247, %mul3A_252 : vector<16xf32>
        %get3A_254 = arith.index_cast %add3A_161 : i32 to index
        %get3A_255 = arith.constant 32 : index
        %get3A_256 = tpu.vector_load %arg12[%get3A_254, %get3A_255] {strides = array<i32>} : memref<128x96xf32, #tpu.memory_space<vmem>>, vector<1x16xf32>,
        %get3A_257 = vector.shape_cast %get3A_256 : vector<1x16xf32> to vector<16xf32>
        %mul3A_258 = arith.mulf %get3A_257, %gather3A_180 : vector<16xf32>
        %add3A_259 = arith.addf %add3A_253, %mul3A_258 : vector<16xf32>
        %get3A_260 = arith.index_cast %add3A_161 : i32 to index
        %get3A_261 = arith.constant 32 : index
        %get3A_262 = tpu.vector_load %arg13[%get3A_260, %get3A_261] {strides = array<i32>} : memref<128x96xf32, #tpu.memory_space<vmem>>, vector<1x16xf32>,
        %get3A_263 = vector.shape_cast %get3A_262 : vector<1x16xf32> to vector<16xf32>
        %mul3A_264 = arith.mulf %get3A_263, %gather3A_187 : vector<16xf32>
        %add3A_265 = arith.addf %add3A_259, %mul3A_264 : vector<16xf32>
        %swap3A_266 = arith.index_cast %add3A_161 : i32 to index
        %swap3A_267 = arith.constant 32 : index
        %swap3A_268 = tpu.vector_load %arg18[%swap3A_266, %swap3A_267] {strides = array<i32>} : memref<128x96xf32, #tpu.memory_space<vmem>>, vector<1x16xf32>,
        %swap3A_269 = vector.shape_cast %swap3A_268 : vector<1x16xf32> to vector<16xf32>
        %swap3A_270 = vector.shape_cast %add3A_265 : vector<16xf32> to vector<1x16xf32>
        tpu.vector_store %arg18[%swap3A_266, %swap3A_267], %swap3A_270 {strides = array<i32>} : memref<128x96xf32, #tpu.memory_space<vmem>>, vector<1x16xf32>,
        %get3A_271 = arith.index_cast %add3A_161 : i32 to index
        %get3A_272 = arith.constant 48 : index
        %get3A_273 = tpu.vector_load %arg10[%get3A_271, %get3A_272] {strides = array<i32>} : memref<128x96xf32, #tpu.memory_space<vmem>>, vector<1x16xf32>,
        %get3A_274 = vector.shape_cast %get3A_273 : vector<1x16xf32> to vector<16xf32>
        %mul3A_275 = arith.mulf %get3A_274, %gather3A_166 : vector<16xf32>
        %get3A_276 = arith.index_cast %add3A_161 : i32 to index
        %get3A_277 = arith.constant 48 : index
        %get3A_278 = tpu.vector_load %arg11[%get3A_276, %get3A_277] {strides = array<i32>} : memref<128x96xf32, #tpu.memory_space<vmem>>, vector<1x16xf32>,
        %get3A_279 = vector.shape_cast %get3A_278 : vector<1x16xf32> to vector<16xf32>
        %mul3A_280 = arith.mulf %get3A_279, %gather3A_173 : vector<16xf32>
        %add3A_281 = arith.addf %mul3A_275, %mul3A_280 : vector<16xf32>
        %get3A_282 = arith.index_cast %add3A_161 : i32 to index
        %get3A_283 = arith.constant 48 : index
        %get3A_284 = tpu.vector_load %arg12[%get3A_282, %get3A_283] {strides = array<i32>} : memref<128x96xf32, #tpu.memory_space<vmem>>, vector<1x16xf32>,
        %get3A_285 = vector.shape_cast %get3A_284 : vector<1x16xf32> to vector<16xf32>
        %mul3A_286 = arith.mulf %get3A_285, %gather3A_180 : vector<16xf32>
        %add3A_287 = arith.addf %add3A_281, %mul3A_286 : vector<16xf32>
        %get3A_288 = arith.index_cast %add3A_161 : i32 to index
        %get3A_289 = arith.constant 48 : index
        %get3A_290 = tpu.vector_load %arg13[%get3A_288, %get3A_289] {strides = array<i32>} : memref<128x96xf32, #tpu.memory_space<vmem>>, vector<1x16xf32>,
        %get3A_291 = vector.shape_cast %get3A_290 : vector<1x16xf32> to vector<16xf32>
        %mul3A_292 = arith.mulf %get3A_291, %gather3A_187 : vector<16xf32>
        %add3A_293 = arith.addf %add3A_287, %mul3A_292 : vector<16xf32>
        %swap3A_294 = arith.index_cast %add3A_161 : i32 to index
        %swap3A_295 = arith.constant 48 : index
        %swap3A_296 = tpu.vector_load %arg18[%swap3A_294, %swap3A_295] {strides = array<i32>} : memref<128x96xf32, #tpu.memory_space<vmem>>, vector<1x16xf32>,
        %swap3A_297 = vector.shape_cast %swap3A_296 : vector<1x16xf32> to vector<16xf32>
        %swap3A_298 = vector.shape_cast %add3A_293 : vector<16xf32> to vector<1x16xf32>
        tpu.vector_store %arg18[%swap3A_294, %swap3A_295], %swap3A_298 {strides = array<i32>} : memref<128x96xf32, #tpu.memory_space<vmem>>, vector<1x16xf32>,
        %get3A_299 = arith.index_cast %add3A_161 : i32 to index
        %get3A_300 = arith.constant 64 : index
        %get3A_301 = tpu.vector_load %arg10[%get3A_299, %get3A_300] {strides = array<i32>} : memref<128x96xf32, #tpu.memory_space<vmem>>, vector<1x16xf32>,
        %get3A_302 = vector.shape_cast %get3A_301 : vector<1x16xf32> to vector<16xf32>
        %mul3A_303 = arith.mulf %get3A_302, %gather3A_166 : vector<16xf32>
        %get3A_304 = arith.index_cast %add3A_161 : i32 to index
        %get3A_305 = arith.constant 64 : index
        %get3A_306 = tpu.vector_load %arg11[%get3A_304, %get3A_305] {strides = array<i32>} : memref<128x96xf32, #tpu.memory_space<vmem>>, vector<1x16xf32>,
        %get3A_307 = vector.shape_cast %get3A_306 : vector<1x16xf32> to vector<16xf32>
        %mul3A_308 = arith.mulf %get3A_307, %gather3A_173 : vector<16xf32>
        %add3A_309 = arith.addf %mul3A_303, %mul3A_308 : vector<16xf32>
        %get3A_310 = arith.index_cast %add3A_161 : i32 to index
        %get3A_311 = arith.constant 64 : index
        %get3A_312 = tpu.vector_load %arg12[%get3A_310, %get3A_311] {strides = array<i32>} : memref<128x96xf32, #tpu.memory_space<vmem>>, vector<1x16xf32>,
        %get3A_313 = vector.shape_cast %get3A_312 : vector<1x16xf32> to vector<16xf32>
        %mul3A_314 = arith.mulf %get3A_313, %gather3A_180 : vector<16xf32>
        %add3A_315 = arith.addf %add3A_309, %mul3A_314 : vector<16xf32>
        %get3A_316 = arith.index_cast %add3A_161 : i32 to index
        %get3A_317 = arith.constant 64 : index
        %get3A_318 = tpu.vector_load %arg13[%get3A_316, %get3A_317] {strides = array<i32>} : memref<128x96xf32, #tpu.memory_space<vmem>>, vector<1x16xf32>,
        %get3A_319 = vector.shape_cast %get3A_318 : vector<1x16xf32> to vector<16xf32>
        %mul3A_320 = arith.mulf %get3A_319, %gather3A_187 : vector<16xf32>
        %add3A_321 = arith.addf %add3A_315, %mul3A_320 : vector<16xf32>
        %swap3A_322 = arith.index_cast %add3A_161 : i32 to index
        %swap3A_323 = arith.constant 64 : index
        %swap3A_324 = tpu.vector_load %arg18[%swap3A_322, %swap3A_323] {strides = array<i32>} : memref<128x96xf32, #tpu.memory_space<vmem>>, vector<1x16xf32>,
        %swap3A_325 = vector.shape_cast %swap3A_324 : vector<1x16xf32> to vector<16xf32>
        %swap3A_326 = vector.shape_cast %add3A_321 : vector<16xf32> to vector<1x16xf32>
        tpu.vector_store %arg18[%swap3A_322, %swap3A_323], %swap3A_326 {strides = array<i32>} : memref<128x96xf32, #tpu.memory_space<vmem>>, vector<1x16xf32>,
        %get3A_327 = arith.index_cast %add3A_161 : i32 to index
        %get3A_328 = arith.constant 80 : index
        %get3A_329 = tpu.vector_load %arg10[%get3A_327, %get3A_328] {strides = array<i32>} : memref<128x96xf32, #tpu.memory_space<vmem>>, vector<1x16xf32>,
        %get3A_330 = vector.shape_cast %get3A_329 : vector<1x16xf32> to vector<16xf32>
        %mul3A_331 = arith.mulf %get3A_330, %gather3A_166 : vector<16xf32>
        %get3A_332 = arith.index_cast %add3A_161 : i32 to index
        %get3A_333 = arith.constant 80 : index
        %get3A_334 = tpu.vector_load %arg11[%get3A_332, %get3A_333] {strides = array<i32>} : memref<128x96xf32, #tpu.memory_space<vmem>>, vector<1x16xf32>,
        %get3A_335 = vector.shape_cast %get3A_334 : vector<1x16xf32> to vector<16xf32>
        %mul3A_336 = arith.mulf %get3A_335, %gather3A_173 : vector<16xf32>
        %add3A_337 = arith.addf %mul3A_331, %mul3A_336 : vector<16xf32>
        %get3A_338 = arith.index_cast %add3A_161 : i32 to index
        %get3A_339 = arith.constant 80 : index
        %get3A_340 = tpu.vector_load %arg12[%get3A_338, %get3A_339] {strides = array<i32>} : memref<128x96xf32, #tpu.memory_space<vmem>>, vector<1x16xf32>,
        %get3A_341 = vector.shape_cast %get3A_340 : vector<1x16xf32> to vector<16xf32>
        %mul3A_342 = arith.mulf %get3A_341, %gather3A_180 : vector<16xf32>
        %add3A_343 = arith.addf %add3A_337, %mul3A_342 : vector<16xf32>
        %get3A_344 = arith.index_cast %add3A_161 : i32 to index
        %get3A_345 = arith.constant 80 : index
        %get3A_346 = tpu.vector_load %arg13[%get3A_344, %get3A_345] {strides = array<i32>} : memref<128x96xf32, #tpu.memory_space<vmem>>, vector<1x16xf32>,
        %get3A_347 = vector.shape_cast %get3A_346 : vector<1x16xf32> to vector<16xf32>
        %mul3A_348 = arith.mulf %get3A_347, %gather3A_187 : vector<16xf32>
        %add3A_349 = arith.addf %add3A_343, %mul3A_348 : vector<16xf32>
        %swap3A_350 = arith.index_cast %add3A_161 : i32 to index
        %swap3A_351 = arith.constant 80 : index
        %swap3A_352 = tpu.vector_load %arg18[%swap3A_350, %swap3A_351] {strides = array<i32>} : memref<128x96xf32, #tpu.memory_space<vmem>>, vector<1x16xf32>,
        %swap3A_353 = vector.shape_cast %swap3A_352 : vector<1x16xf32> to vector<16xf32>
        %swap3A_354 = vector.shape_cast %add3A_349 : vector<16xf32> to vector<1x16xf32>
        tpu.vector_store %arg18[%swap3A_350, %swap3A_351], %swap3A_354 {strides = array<i32>} : memref<128x96xf32, #tpu.memory_space<vmem>>, vector<1x16xf32>,
        %scan3A_355 = arith.constant 0 : i32
        scf.yield %scan3A_355 : i32
      }
      %scan3A_157 = arith.constant 16 : i32
      %scan3A_158 = arith.constant 0 : i32
      scf.yield %scan3A_158 : i32
    }
    %scan3A_125 = arith.constant 8 : i32
    %add3A_126 = arith.constant 6144 : i32
    %add3A_127 = arith.addi %mul3A_32, %add3A_126 : i32
    "tpu.region"() ({
      %run_scoped3A = tpu.sem_alloc : memref<!tpu.dma_semaphore, #tpu.memory_space<semaphore_mem>>
      %dma_start3A_128 = arith.constant 0 : i32
      %dma_start3A_129 = tpu.memref_slice %arg5[%select_n3A, %add3A_127, %dma_start3A_128] : memref<4x50176x96xf32, #tpu.memory_space<hbm>> -> memref<1x128x96xf32, #tpu.memory_space<hbm>>
      %dma_start3A_130 = tpu.memref_squeeze %dma_start3A_129 : memref<1x128x96xf32, #tpu.memory_space<hbm>> -> memref<128x96xf32, #tpu.memory_space<hbm>>
      %dma_start3A_131 = arith.constant 0 : i32
      %dma_start3A_132 = tpu.memref_slice %arg5[%select_n3A, %add3A_127, %dma_start3A_131] : memref<4x50176x96xf32, #tpu.memory_space<hbm>> -> memref<1x128x96xf32, #tpu.memory_space<hbm>>
      %dma_start3A_133 = tpu.memref_squeeze %dma_start3A_132 : memref<1x128x96xf32, #tpu.memory_space<hbm>> -> memref<128x96xf32, #tpu.memory_space<hbm>>
      tpu.enqueue_dma source(%arg18 : memref<128x96xf32, #tpu.memory_space<vmem>>) target(%dma_start3A_133 : memref<128x96xf32, #tpu.memory_space<hbm>>) target_semaphore(%run_scoped3A : memref<!tpu.dma_semaphore, #tpu.memory_space<semaphore_mem>>)
      %dma_wait3A_134 = arith.constant 0 : i32
      %dma_wait3A_135 = tpu.memref_slice %arg5[%select_n3A, %add3A_127, %dma_wait3A_134] : memref<4x50176x96xf32, #tpu.memory_space<hbm>> -> memref<1x128x96xf32, #tpu.memory_space<hbm>>
      %dma_wait3A_136 = tpu.memref_squeeze %dma_wait3A_135 : memref<1x128x96xf32, #tpu.memory_space<hbm>> -> memref<128x96xf32, #tpu.memory_space<hbm>>
      %dma_wait3A_137 = arith.constant 0 : i32
      %dma_wait3A_138 = tpu.memref_slice %arg5[%select_n3A, %add3A_127, %dma_wait3A_137] : memref<4x50176x96xf32, #tpu.memory_space<hbm>> -> memref<1x128x96xf32, #tpu.memory_space<hbm>>
      %dma_wait3A_139 = tpu.memref_squeeze %dma_wait3A_138 : memref<1x128x96xf32, #tpu.memory_space<hbm>> -> memref<128x96xf32, #tpu.memory_space<hbm>>
      tpu.wait_dma2 semaphore(%run_scoped3A : memref<!tpu.dma_semaphore, #tpu.memory_space<semaphore_mem>>) src(%arg18 : memref<128x96xf32, #tpu.memory_space<vmem>>) dst(%dma_wait3A_139 : memref<128x96xf32, #tpu.memory_space<hbm>>)
      tpu.yield
    }) : () -> ()
    return
  }
}

module attributes {stable_mosaic.version = 14 : i64} {
  func.func @_pad_body(%arg0: i32, %arg1: i32, %arg2: memref<1x8x224x224xf32, #tpu.memory_space<vmem>>, %arg3: memref<1x8x226x226xf32, #tpu.memory_space<vmem>>) attributes {dimension_semantics = [#tpu.dimension_semantics<arbitrary>, #tpu.dimension_semantics<arbitrary>], iteration_bounds = array<i64: 4, 12>, scalar_prefetch = 0 : i64, scratch_operands = 0 : i64, tpu.core_type = #tpu.core_type<tc>, window_params = [{transform_indices = @transform_0, window_bounds = array<i64: 1, 8, 224, 224>}, {transform_indices = @transform_1, window_bounds = array<i64: 1, 8, 226, 226>}]} {
    %get3A = arith.constant 0 : index
    %get3A_0 = arith.constant 0 : index
    %get3A_1 = arith.constant 0 : index
    %get3A_2 = arith.constant 0 : index
    %get3A_3 = vector.load %arg2[%get3A, %get3A_0, %get3A_1, %get3A_2] : memref<1x8x224x224xf32, #tpu.memory_space<vmem>>, vector<1x8x224x224xf32>
    %get3A_4 = vector.shape_cast %get3A_3 : vector<1x8x224x224xf32> to vector<8x224x224xf32>
    %slice3A = vector.extract_strided_slice %get3A_4 {offsets = [0, 0, 0], sizes = [8, 1, 224], strides = [1, 1, 1]} : vector<8x224x224xf32> to vector<8x1x224xf32>
    %slice3A_5 = vector.extract_strided_slice %get3A_4 {offsets = [0, 223, 0], sizes = [8, 1, 224], strides = [1, 1, 1]} : vector<8x224x224xf32> to vector<8x1x224xf32>
    %concatenate3A = tpu.concatenate %slice3A, %get3A_4, %slice3A_5 in 1 : vector<8x1x224xf32>, vector<8x224x224xf32>, vector<8x1x224xf32> -> vector<8x226x224xf32>
    %slice3A_6 = vector.extract_strided_slice %concatenate3A {offsets = [0, 0, 0], sizes = [8, 226, 1], strides = [1, 1, 1]} : vector<8x226x224xf32> to vector<8x226x1xf32>
    %slice3A_7 = vector.extract_strided_slice %concatenate3A {offsets = [0, 0, 223], sizes = [8, 226, 1], strides = [1, 1, 1]} : vector<8x226x224xf32> to vector<8x226x1xf32>
    %concatenate3A_8 = tpu.concatenate %slice3A_6, %concatenate3A, %slice3A_7 in 2 : vector<8x226x1xf32>, vector<8x226x224xf32>, vector<8x226x1xf32> -> vector<8x226x226xf32>
    %swap3A = arith.constant 0 : index
    %swap3A_9 = arith.constant 0 : index
    %swap3A_10 = arith.constant 0 : index
    %swap3A_11 = arith.constant 0 : index
    %swap3A_12 = vector.load %arg3[%swap3A, %swap3A_9, %swap3A_10, %swap3A_11] : memref<1x8x226x226xf32, #tpu.memory_space<vmem>>, vector<1x8x226x226xf32>
    %swap3A_13 = vector.shape_cast %swap3A_12 : vector<1x8x226x226xf32> to vector<8x226x226xf32>
    %swap3A_14 = vector.shape_cast %concatenate3A_8 : vector<8x226x226xf32> to vector<1x8x226x226xf32>
    tpu.vector_store %arg3[%swap3A, %swap3A_9, %swap3A_10, %swap3A_11], %swap3A_14 {strides = array<i32>} : memref<1x8x226x226xf32, #tpu.memory_space<vmem>>, vector<1x8x226x226xf32>,
    return
  }
  func.func @transform_0(%arg0: i32, %arg1: i32) -> (i32, i32, i32, i32) {
    %c0_i32 = arith.constant 0 : i32
    %c0_i32_0 = arith.constant 0 : i32
    %c0_i32_1 = arith.constant 0 : i32
    return %arg0, %arg1, %c0_i32, %c0_i32_0 : i32, i32, i32, i32
  }
  func.func @transform_1(%arg0: i32, %arg1: i32) -> (i32, i32, i32, i32) {
    %c0_i32 = arith.constant 0 : i32
    %c0_i32_0 = arith.constant 0 : i32
    %c0_i32_1 = arith.constant 0 : i32
    return %arg0, %arg1, %c0_i32, %c0_i32_0 : i32, i32, i32, i32
  }
}

module attributes {stable_mosaic.version = 14 : i64} {
  func.func @_prep_body(%arg0: memref<4x2x224x224xf32, #tpu.memory_space<vmem>>, %arg1: memref<4x4x224x224xi32, #tpu.memory_space<vmem>>, %arg2: memref<4x4x224x224xf32, #tpu.memory_space<vmem>>) attributes {dimension_semantics = [], scalar_prefetch = 0 : i64, scratch_operands = 0 : i64, tpu.core_type = #tpu.core_type<tc>} {
    %get3A = arith.constant 0 : index
    %get3A_0 = arith.constant 0 : index
    %get3A_1 = arith.constant 0 : index
    %get3A_2 = arith.constant 0 : index
    %get3A_3 = vector.load %arg0[%get3A, %get3A_0, %get3A_1, %get3A_2] : memref<4x2x224x224xf32, #tpu.memory_space<vmem>>, vector<4x2x224x224xf32>
    %slice3A = vector.extract_strided_slice %get3A_3 {offsets = [0, 0, 0, 0], sizes = [4, 1, 224, 224], strides = [1, 1, 1, 1]} : vector<4x2x224x224xf32> to vector<4x1x224x224xf32>
    %squeeze3A = vector.shape_cast %slice3A : vector<4x1x224x224xf32> to vector<4x224x224xf32>
    %slice3A_4 = vector.extract_strided_slice %get3A_3 {offsets = [0, 1, 0, 0], sizes = [4, 1, 224, 224], strides = [1, 1, 1, 1]} : vector<4x2x224x224xf32> to vector<4x1x224x224xf32>
    %squeeze3A_5 = vector.shape_cast %slice3A_4 : vector<4x1x224x224xf32> to vector<4x224x224xf32>
    %iota3A = tpu.iota {dimensions = array<i32: 1>} : vector<4x224x224xi32>
    %convert_element_type3A = arith.sitofp %iota3A : vector<4x224x224xi32> to vector<4x224x224xf32>
    %iota3A_6 = tpu.iota {dimensions = array<i32: 2>} : vector<4x224x224xi32>
    %convert_element_type3A_7 = arith.sitofp %iota3A_6 : vector<4x224x224xi32> to vector<4x224x224xf32>
    %add3A = arith.addf %squeeze3A, %convert_element_type3A : vector<4x224x224xf32>
    %add3A_8 = arith.constant 1.000000e+00 : f32
    %add3A_9 = vector.broadcast %add3A_8 : f32 to vector<4x224x224xf32>
    %add3A_10 = arith.addf %add3A, %add3A_9 : vector<4x224x224xf32>
    %add3A_11 = arith.addf %squeeze3A_5, %convert_element_type3A_7 : vector<4x224x224xf32>
    %add3A_12 = arith.constant 1.000000e+00 : f32
    %add3A_13 = vector.broadcast %add3A_12 : f32 to vector<4x224x224xf32>
    %add3A_14 = arith.addf %add3A_11, %add3A_13 : vector<4x224x224xf32>
    %floor3A = math.floor %add3A_10 : vector<4x224x224xf32>
    %convert_element_type3A_15 = arith.fptosi %floor3A : vector<4x224x224xf32> to vector<4x224x224xi32>
    %floor3A_16 = math.floor %add3A_14 : vector<4x224x224xf32>
    %convert_element_type3A_17 = arith.fptosi %floor3A_16 : vector<4x224x224xf32> to vector<4x224x224xi32>
    %add3A_18 = arith.constant 1 : i32
    %add3A_19 = vector.broadcast %add3A_18 : i32 to vector<4x224x224xi32>
    %add3A_20 = arith.addi %convert_element_type3A_15, %add3A_19 : vector<4x224x224xi32>
    %jit3A = arith.constant 0 : i32
    %jit3A_21 = arith.constant 225 : i32
    %max3A = vector.broadcast %jit3A : i32 to vector<4x224x224xi32>
    %max3A_22 = arith.maxsi %max3A, %add3A_20 : vector<4x224x224xi32>
    %min3A = vector.broadcast %jit3A_21 : i32 to vector<4x224x224xi32>
    %min3A_23 = arith.minsi %min3A, %max3A_22 : vector<4x224x224xi32>
    %add3A_24 = arith.constant 1 : i32
    %add3A_25 = vector.broadcast %add3A_24 : i32 to vector<4x224x224xi32>
    %add3A_26 = arith.addi %convert_element_type3A_17, %add3A_25 : vector<4x224x224xi32>
    %jit3A_27 = arith.constant 0 : i32
    %jit3A_28 = arith.constant 225 : i32
    %max3A_29 = vector.broadcast %jit3A_27 : i32 to vector<4x224x224xi32>
    %max3A_30 = arith.maxsi %max3A_29, %add3A_26 : vector<4x224x224xi32>
    %min3A_31 = vector.broadcast %jit3A_28 : i32 to vector<4x224x224xi32>
    %min3A_32 = arith.minsi %min3A_31, %max3A_30 : vector<4x224x224xi32>
    %jit3A_33 = arith.constant 0 : i32
    %jit3A_34 = arith.constant 225 : i32
    %max3A_35 = vector.broadcast %jit3A_33 : i32 to vector<4x224x224xi32>
    %max3A_36 = arith.maxsi %max3A_35, %convert_element_type3A_15 : vector<4x224x224xi32>
    %min3A_37 = vector.broadcast %jit3A_34 : i32 to vector<4x224x224xi32>
    %min3A_38 = arith.minsi %min3A_37, %max3A_36 : vector<4x224x224xi32>
    %jit3A_39 = arith.constant 0 : i32
    %jit3A_40 = arith.constant 225 : i32
    %max3A_41 = vector.broadcast %jit3A_39 : i32 to vector<4x224x224xi32>
    %max3A_42 = arith.maxsi %max3A_41, %convert_element_type3A_17 : vector<4x224x224xi32>
    %min3A_43 = vector.broadcast %jit3A_40 : i32 to vector<4x224x224xi32>
    %min3A_44 = arith.minsi %min3A_43, %max3A_42 : vector<4x224x224xi32>
    %iota3A_45 = tpu.iota {dimensions = array<i32: 0>} : vector<4x224x224xi32>
    %mul3A = arith.constant 51076 : i32
    %mul3A_46 = vector.broadcast %mul3A : i32 to vector<4x224x224xi32>
    %mul3A_47 = arith.muli %iota3A_45, %mul3A_46 : vector<4x224x224xi32>
    %mul3A_48 = arith.constant 226 : i32
    %mul3A_49 = vector.broadcast %mul3A_48 : i32 to vector<4x224x224xi32>
    %mul3A_50 = arith.muli %min3A_38, %mul3A_49 : vector<4x224x224xi32>
    %add3A_51 = arith.addi %mul3A_47, %mul3A_50 : vector<4x224x224xi32>
    %add3A_52 = arith.addi %add3A_51, %min3A_44 : vector<4x224x224xi32>
    %swap3A = arith.constant 0 : index
    %swap3A_53 = arith.constant 0 : index
    %swap3A_54 = arith.constant 0 : index
    %swap3A_55 = arith.constant 0 : index
    %swap3A_56 = vector.load %arg1[%swap3A, %swap3A_53, %swap3A_54, %swap3A_55] : memref<4x4x224x224xi32, #tpu.memory_space<vmem>>, vector<4x1x224x224xi32>
    %swap3A_57 = vector.shape_cast %swap3A_56 : vector<4x1x224x224xi32> to vector<4x224x224xi32>
    %swap3A_58 = vector.shape_cast %add3A_52 : vector<4x224x224xi32> to vector<4x1x224x224xi32>
    tpu.vector_store %arg1[%swap3A, %swap3A_53, %swap3A_54, %swap3A_55], %swap3A_58 {strides = array<i32>} : memref<4x4x224x224xi32, #tpu.memory_space<vmem>>, vector<4x1x224x224xi32>,
    %mul3A_59 = arith.constant 226 : i32
    %mul3A_60 = vector.broadcast %mul3A_59 : i32 to vector<4x224x224xi32>
    %mul3A_61 = arith.muli %min3A_38, %mul3A_60 : vector<4x224x224xi32>
    %add3A_62 = arith.addi %mul3A_47, %mul3A_61 : vector<4x224x224xi32>
    %add3A_63 = arith.addi %add3A_62, %min3A_32 : vector<4x224x224xi32>
    %swap3A_64 = arith.constant 0 : index
    %swap3A_65 = arith.constant 1 : index
    %swap3A_66 = arith.constant 0 : index
    %swap3A_67 = arith.constant 0 : index
    %swap3A_68 = vector.load %arg1[%swap3A_64, %swap3A_65, %swap3A_66, %swap3A_67] : memref<4x4x224x224xi32, #tpu.memory_space<vmem>>, vector<4x1x224x224xi32>
    %swap3A_69 = vector.shape_cast %swap3A_68 : vector<4x1x224x224xi32> to vector<4x224x224xi32>
    %swap3A_70 = vector.shape_cast %add3A_63 : vector<4x224x224xi32> to vector<4x1x224x224xi32>
    tpu.vector_store %arg1[%swap3A_64, %swap3A_65, %swap3A_66, %swap3A_67], %swap3A_70 {strides = array<i32>} : memref<4x4x224x224xi32, #tpu.memory_space<vmem>>, vector<4x1x224x224xi32>,
    %mul3A_71 = arith.constant 226 : i32
    %mul3A_72 = vector.broadcast %mul3A_71 : i32 to vector<4x224x224xi32>
    %mul3A_73 = arith.muli %min3A_23, %mul3A_72 : vector<4x224x224xi32>
    %add3A_74 = arith.addi %mul3A_47, %mul3A_73 : vector<4x224x224xi32>
    %add3A_75 = arith.addi %add3A_74, %min3A_44 : vector<4x224x224xi32>
    %swap3A_76 = arith.constant 0 : index
    %swap3A_77 = arith.constant 2 : index
    %swap3A_78 = arith.constant 0 : index
    %swap3A_79 = arith.constant 0 : index
    %swap3A_80 = vector.load %arg1[%swap3A_76, %swap3A_77, %swap3A_78, %swap3A_79] : memref<4x4x224x224xi32, #tpu.memory_space<vmem>>, vector<4x1x224x224xi32>
    %swap3A_81 = vector.shape_cast %swap3A_80 : vector<4x1x224x224xi32> to vector<4x224x224xi32>
    %swap3A_82 = vector.shape_cast %add3A_75 : vector<4x224x224xi32> to vector<4x1x224x224xi32>
    tpu.vector_store %arg1[%swap3A_76, %swap3A_77, %swap3A_78, %swap3A_79], %swap3A_82 {strides = array<i32>} : memref<4x4x224x224xi32, #tpu.memory_space<vmem>>, vector<4x1x224x224xi32>,
    %mul3A_83 = arith.constant 226 : i32
    %mul3A_84 = vector.broadcast %mul3A_83 : i32 to vector<4x224x224xi32>
    %mul3A_85 = arith.muli %min3A_23, %mul3A_84 : vector<4x224x224xi32>
    %add3A_86 = arith.addi %mul3A_47, %mul3A_85 : vector<4x224x224xi32>
    %add3A_87 = arith.addi %add3A_86, %min3A_32 : vector<4x224x224xi32>
    %swap3A_88 = arith.constant 0 : index
    %swap3A_89 = arith.constant 3 : index
    %swap3A_90 = arith.constant 0 : index
    %swap3A_91 = arith.constant 0 : index
    %swap3A_92 = vector.load %arg1[%swap3A_88, %swap3A_89, %swap3A_90, %swap3A_91] : memref<4x4x224x224xi32, #tpu.memory_space<vmem>>, vector<4x1x224x224xi32>
    %swap3A_93 = vector.shape_cast %swap3A_92 : vector<4x1x224x224xi32> to vector<4x224x224xi32>
    %swap3A_94 = vector.shape_cast %add3A_87 : vector<4x224x224xi32> to vector<4x1x224x224xi32>
    tpu.vector_store %arg1[%swap3A_88, %swap3A_89, %swap3A_90, %swap3A_91], %swap3A_94 {strides = array<i32>} : memref<4x4x224x224xi32, #tpu.memory_space<vmem>>, vector<4x1x224x224xi32>,
    %convert_element_type3A_95 = arith.sitofp %min3A_23 : vector<4x224x224xi32> to vector<4x224x224xf32>
    %sub3A = arith.subf %convert_element_type3A_95, %add3A_10 : vector<4x224x224xf32>
    %convert_element_type3A_96 = arith.sitofp %min3A_32 : vector<4x224x224xi32> to vector<4x224x224xf32>
    %sub3A_97 = arith.subf %convert_element_type3A_96, %add3A_14 : vector<4x224x224xf32>
    %mul3A_98 = arith.mulf %sub3A, %sub3A_97 : vector<4x224x224xf32>
    %swap3A_99 = arith.constant 0 : index
    %swap3A_100 = arith.constant 0 : index
    %swap3A_101 = arith.constant 0 : index
    %swap3A_102 = arith.constant 0 : index
    %swap3A_103 = vector.load %arg2[%swap3A_99, %swap3A_100, %swap3A_101, %swap3A_102] : memref<4x4x224x224xf32, #tpu.memory_space<vmem>>, vector<4x1x224x224xf32>
    %swap3A_104 = vector.shape_cast %swap3A_103 : vector<4x1x224x224xf32> to vector<4x224x224xf32>
    %swap3A_105 = vector.shape_cast %mul3A_98 : vector<4x224x224xf32> to vector<4x1x224x224xf32>
    tpu.vector_store %arg2[%swap3A_99, %swap3A_100, %swap3A_101, %swap3A_102], %swap3A_105 {strides = array<i32>} : memref<4x4x224x224xf32, #tpu.memory_space<vmem>>, vector<4x1x224x224xf32>,
    %sub3A_106 = arith.constant 1.000000e+00 : f32
    %sub3A_107 = vector.broadcast %sub3A_106 : f32 to vector<4x224x224xf32>
    %sub3A_108 = arith.subf %sub3A_107, %sub3A_97 : vector<4x224x224xf32>
    %mul3A_109 = arith.mulf %sub3A, %sub3A_108 : vector<4x224x224xf32>
    %swap3A_110 = arith.constant 0 : index
    %swap3A_111 = arith.constant 1 : index
    %swap3A_112 = arith.constant 0 : index
    %swap3A_113 = arith.constant 0 : index
    %swap3A_114 = vector.load %arg2[%swap3A_110, %swap3A_111, %swap3A_112, %swap3A_113] : memref<4x4x224x224xf32, #tpu.memory_space<vmem>>, vector<4x1x224x224xf32>
    %swap3A_115 = vector.shape_cast %swap3A_114 : vector<4x1x224x224xf32> to vector<4x224x224xf32>
    %swap3A_116 = vector.shape_cast %mul3A_109 : vector<4x224x224xf32> to vector<4x1x224x224xf32>
    tpu.vector_store %arg2[%swap3A_110, %swap3A_111, %swap3A_112, %swap3A_113], %swap3A_116 {strides = array<i32>} : memref<4x4x224x224xf32, #tpu.memory_space<vmem>>, vector<4x1x224x224xf32>,
    %sub3A_117 = arith.constant 1.000000e+00 : f32
    %sub3A_118 = vector.broadcast %sub3A_117 : f32 to vector<4x224x224xf32>
    %sub3A_119 = arith.subf %sub3A_118, %sub3A : vector<4x224x224xf32>
    %mul3A_120 = arith.mulf %sub3A_119, %sub3A_97 : vector<4x224x224xf32>
    %swap3A_121 = arith.constant 0 : index
    %swap3A_122 = arith.constant 2 : index
    %swap3A_123 = arith.constant 0 : index
    %swap3A_124 = arith.constant 0 : index
    %swap3A_125 = vector.load %arg2[%swap3A_121, %swap3A_122, %swap3A_123, %swap3A_124] : memref<4x4x224x224xf32, #tpu.memory_space<vmem>>, vector<4x1x224x224xf32>
    %swap3A_126 = vector.shape_cast %swap3A_125 : vector<4x1x224x224xf32> to vector<4x224x224xf32>
    %swap3A_127 = vector.shape_cast %mul3A_120 : vector<4x224x224xf32> to vector<4x1x224x224xf32>
    tpu.vector_store %arg2[%swap3A_121, %swap3A_122, %swap3A_123, %swap3A_124], %swap3A_127 {strides = array<i32>} : memref<4x4x224x224xf32, #tpu.memory_space<vmem>>, vector<4x1x224x224xf32>,
    %sub3A_128 = arith.constant 1.000000e+00 : f32
    %sub3A_129 = vector.broadcast %sub3A_128 : f32 to vector<4x224x224xf32>
    %sub3A_130 = arith.subf %sub3A_129, %sub3A_97 : vector<4x224x224xf32>
    %sub3A_131 = arith.constant 1.000000e+00 : f32
    %sub3A_132 = vector.broadcast %sub3A_131 : f32 to vector<4x224x224xf32>
    %sub3A_133 = arith.subf %sub3A_132, %sub3A : vector<4x224x224xf32>
    %mul3A_134 = arith.mulf %sub3A_130, %sub3A_133 : vector<4x224x224xf32>
    %swap3A_135 = arith.constant 0 : index
    %swap3A_136 = arith.constant 3 : index
    %swap3A_137 = arith.constant 0 : index
    %swap3A_138 = arith.constant 0 : index
    %swap3A_139 = vector.load %arg2[%swap3A_135, %swap3A_136, %swap3A_137, %swap3A_138] : memref<4x4x224x224xf32, #tpu.memory_space<vmem>>, vector<4x1x224x224xf32>
    %swap3A_140 = vector.shape_cast %swap3A_139 : vector<4x1x224x224xf32> to vector<4x224x224xf32>
    %swap3A_141 = vector.shape_cast %mul3A_134 : vector<4x224x224xf32> to vector<4x1x224x224xf32>
    tpu.vector_store %arg2[%swap3A_135, %swap3A_136, %swap3A_137, %swap3A_138], %swap3A_141 {strides = array<i32>} : memref<4x4x224x224xf32, #tpu.memory_space<vmem>>, vector<4x1x224x224xf32>,
    return
  }
}

module attributes {stable_mosaic.version = 14 : i64} {
  func.func @_tr_body(%arg0: i32, %arg1: i32, %arg2: memref<1x896x96xf32, #tpu.memory_space<vmem>>, %arg3: memref<1x96x896xf32, #tpu.memory_space<vmem>>) attributes {dimension_semantics = [#tpu.dimension_semantics<arbitrary>, #tpu.dimension_semantics<arbitrary>], iteration_bounds = array<i64: 4, 56>, scalar_prefetch = 0 : i64, scratch_operands = 0 : i64, tpu.core_type = #tpu.core_type<tc>, window_params = [{transform_indices = @transform_0, window_bounds = array<i64: 1, 896, 96>}, {transform_indices = @transform_1, window_bounds = array<i64: 1, 96, 896>}]} {
    %get3A = arith.constant 0 : index
    %get3A_0 = arith.constant 0 : index
    %get3A_1 = arith.constant 0 : index
    %get3A_2 = vector.load %arg2[%get3A, %get3A_0, %get3A_1] : memref<1x896x96xf32, #tpu.memory_space<vmem>>, vector<1x896x96xf32>
    %get3A_3 = vector.shape_cast %get3A_2 : vector<1x896x96xf32> to vector<896x96xf32>
    %transpose3A = tpu.transpose %get3A_3, [1, 0] : vector<896x96xf32> -> vector<96x896xf32>
    %swap3A = arith.constant 0 : index
    %swap3A_4 = arith.constant 0 : index
    %swap3A_5 = arith.constant 0 : index
    %swap3A_6 = vector.load %arg3[%swap3A, %swap3A_4, %swap3A_5] : memref<1x96x896xf32, #tpu.memory_space<vmem>>, vector<1x96x896xf32>
    %swap3A_7 = vector.shape_cast %swap3A_6 : vector<1x96x896xf32> to vector<96x896xf32>
    %swap3A_8 = vector.shape_cast %transpose3A : vector<96x896xf32> to vector<1x96x896xf32>
    tpu.vector_store %arg3[%swap3A, %swap3A_4, %swap3A_5], %swap3A_8 {strides = array<i32>} : memref<1x96x896xf32, #tpu.memory_space<vmem>>, vector<1x96x896xf32>,
    return
  }
  func.func @transform_0(%arg0: i32, %arg1: i32) -> (i32, i32, i32) {
    %c0_i32 = arith.constant 0 : i32
    %c0_i32_0 = arith.constant 0 : i32
    return %arg0, %arg1, %c0_i32 : i32, i32, i32
  }
  func.func @transform_1(%arg0: i32, %arg1: i32) -> (i32, i32, i32) {
    %c0_i32 = arith.constant 0 : i32
    %c0_i32_0 = arith.constant 0 : i32
    return %arg0, %c0_i32, %arg1 : i32, i32, i32
  }
}

</mosaic_0001>

<sc_bundles>
// kernel: kernel.6.cloned.1.call-start
scs
__scs_entry_jumppad:
0x0: {  	(pc) =	sbr.rel $0x88, $3  }
0x1: {  	(tag) =	ssettag $0x0;
	lr =	simm.s32 $0x1  }
0x2: {  	[smem:$0x3F9F] =	sst lr;
	_ =	strace $0xD0000000  }
0x3: {  	_ = 	snop  }
0x4: {  	_ = 	snop  }
0x5: {  	_ = 	snop  }
0x6: {  	_ = 	snop  }
0x7: {  	_ = 	snop  }
__scs_overlays_trampoline_lowered:
0x8: {  	[smem:$0x3FAE] =	sst s0  }
0x9: {  	[smem:$0x3FAF] =	sst s1  }
0xa: {  	[smem:$0x3FB0] =	sst s2  }
0xb: {  	[smem:$0x3FB1] =	sst s3  }
0xc: {  	[smem:$0x3FB2] =	sst s4  }
0xd: {  	[smem:$0x3FB3] =	sst s5  }
0xe: {  	[smem:$0x3FB4] =	sst s6  }
0xf: {  	[smem:$0x3FB5] =	sst s7  }
0x10: {  	[smem:$0x3FB6] =	sst s8  }
0x11: {  	[smem:$0x3FB7] =	sst s9;
	s0 =	simm.s32 @!p0 $0x0  }
0x12: {  	s1 =	sld [smem:$0x3F9D];
	s0 =	simm.s32 @p0 $0x1  }
0x13: {  	[smem:$0x3FB8] =	sst s0;
	s0 =	simm.s32 @!p1 $0x0  }
0x14: {  	s2 =	sld [smem:$0x3F9C];
	s0 =	simm.s32 @p1 $0x1  }
0x15: {  	[smem:$0x3FB9] =	sst s0;
	s0 =	simm.s32 @!p2 $0x0  }
0x16: {  	s3 =	sld [smem:$0x3FDB];
	s0 =	simm.s32 @p2 $0x1  }
0x17: {  	s4 =	simm.s32 $0x1BF5;
	[smem:$0x3FBB] =	sst s0  }
0x18: {  	s0 =	sld [smem:$0x3F9E];
	_ =	swait.ge [sflag:s4], $0x0  }
0x19: {  	s7 =	sld [smem:$0x3F9F]  }
0x1a: {  	s8 =	sadd.s32 $0xFFFFE003, lr  }
0x1b: {  	s9 =	sadd.s32 $0xFFFFFEF7, lr;
	s5 =	simm.s32 $0xFFFFFFFF;
	p2 =	slt.u32 s8, $0xFFFFF086  }
0x1c: {  	p1 =	slt.u32 s9, $0xF7A;
	s5 =	simm.s32 @!p2 $0x0  }
0x1d: {  	s5 =	simm.s32 @p1 $0x1;
	p0 =	seq.s32 s7, s2  }
0x1e: {  	s7 =	smul.u32 @!p0 $0xF7A, s2;
	p2 =	seq.s32 @!p0 s5, $0x0  }
0x1f: {  	s9 =	smul.u32 $0xF7A, s1;
	s8 =	simm.s32 @!p0 $0x1BF5;
	p2 =	por !p2, p0  }
0x20: {  	[sflag:s8] =	ssyncset.s32 @!p0 $0xFFFFF086;
	s6 =	sadd.s32 @!p0 s3, s7;
	s7 =	simm.s32 @!p0 $0x108  }
0x21: {  	s3 =	sadd.s32 s3, s9;
	s6 =	sadd.s32 @!p0 $0x88, s6;
	s7 =	simm.s32 @p2 $0x1082  }
0x22: {  	[simem:s7], [sflag:s8] =	dma.local @!p0 [hbm:s6], $0xF7A  }
0x23: {  	s9 =	sor.u32 $0xD0000000, s2;
	s6 =	simm.s32 $0x108;
	_ =	swait.ge @!p0 [sflag:s8], $0x0  }
0x24: {  	s3 =	sadd.s32 $0x88, s3;
	s6 =	simm.s32 @!p1 $0x1082;
	[sflag:s4] =	ssyncset.s32 $0xFFFFF086  }
0x25: {  	[simem:s6], [sflag:s4] =	dma.local [hbm:s3], $0xF7A  }
0x26: {  	[smem:$0x3F9F] =	sst s1;
	(tag) =	ssettag s2;
	_ =	strace s9  }
0x27: {  	s1 =	sld [smem:$0x3FAF]  }
0x28: {  	s2 =	sld [smem:$0x3FB0]  }
0x29: {  	s4 =	sld [smem:$0x3FB2]  }
0x2a: {  	p0 =	seq.s32 s5, $0x0;
	s5 =	sld [smem:$0x3FB3]  }
0x2b: {  	s6 =	sld [smem:$0x3FB4]  }
0x2c: {  	s7 =	sld [smem:$0x3FB5]  }
0x2d: {  	s3 =	simm.s32 $0x108;
	s8 =	sld [smem:$0x3FB6]  }
0x2e: {  	s3 =	simm.s32 @!p0 $0x1082;
	s9 =	sld [smem:$0x3FB7]  }
0x2f: {  	lr =	sadd.s32 s0, s3;
	s0 =	sld [smem:$0x3FAE]  }
0x30: {  	s3 =	sld [smem:$0x3FB1]  }
0x31: {  	[smem:$0x3FBA] =	sst s10  }
0x32: {  	s10 =	sld [smem:$0x3FB8];
	_ =	sdelay $0x3  }
0x33: {  	p0 =	seq.s32 s10, $0x1;
	s10 =	sld [smem:$0x3FBA];
	_ =	sdelay $0x3  }
0x34: {  	[smem:$0x3FBA] =	sst s10  }
0x35: {  	s10 =	sld [smem:$0x3FB9];
	_ =	sdelay $0x3  }
0x36: {  	p1 =	seq.s32 s10, $0x1;
	s10 =	sld [smem:$0x3FBA];
	_ =	sdelay $0x3  }
0x37: {  	[smem:$0x3FBA] =	sst s10  }
0x38: {  	s10 =	sld [smem:$0x3FBB]  }
0x39: {  	_ = 	snop;
	(pc) =	sbr.ind lr, $3  }
0x3a: {  	_ = 	snop  }
0x3b: {  	_ = 	snop  }
0x3c: {  	p2 =	seq.s32 s10, $0x1;
	s10 =	sld [smem:$0x3FBA]  }
0x3d: {  	_ =	shalt  }
0x3e: {  	_ =	shalt  }
0x3f: {  	_ =	shalt  }
0x40: {  	_ =	shalt  }
0x41: {  	_ =	shalt  }
0x42: {  	_ =	shalt  }
0x43: {  	_ =	shalt  }
0x44: {  	_ =	shalt  }
0x45: {  	_ =	shalt  }
0x46: {  	_ =	shalt  }
0x47: {  	_ =	shalt  }
0x48: {  	_ =	shalt  }
0x49: {  	_ =	shalt  }
0x4a: {  	_ =	shalt  }
0x4b: {  	_ =	shalt  }
0x4c: {  	_ =	shalt  }
0x4d: {  	_ =	shalt  }
0x4e: {  	_ =	shalt  }
0x4f: {  	_ =	shalt  }
0x50: {  	_ =	shalt  }
0x51: {  	_ =	shalt  }
0x52: {  	_ =	shalt  }
0x53: {  	_ =	shalt  }
0x54: {  	_ =	shalt  }
0x55: {  	_ =	shalt  }
0x56: {  	_ =	shalt  }
0x57: {  	_ =	shalt  }
0x58: {  	_ =	shalt  }
0x59: {  	_ =	shalt  }
0x5a: {  	_ =	shalt  }
0x5b: {  	_ =	shalt  }
0x5c: {  	_ =	shalt  }
0x5d: {  	_ =	shalt  }
0x5e: {  	_ =	shalt  }
0x5f: {  	_ =	shalt  }
0x60: {  	_ =	shalt  }
0x61: {  	_ =	shalt  }
0x62: {  	_ =	shalt  }
0x63: {  	_ =	shalt  }
0x64: {  	_ =	shalt  }
0x65: {  	_ =	shalt  }
0x66: {  	_ =	shalt  }
0x67: {  	_ =	shalt  }
0x68: {  	_ =	shalt  }
0x69: {  	_ =	shalt  }
0x6a: {  	_ =	shalt  }
0x6b: {  	_ =	shalt  }
0x6c: {  	_ =	shalt  }
0x6d: {  	_ =	shalt  }
0x6e: {  	_ =	shalt  }
0x6f: {  	_ =	shalt  }
0x70: {  	_ =	shalt  }
0x71: {  	_ =	shalt  }
0x72: {  	_ =	shalt  }
0x73: {  	_ =	shalt  }
0x74: {  	_ =	shalt  }
0x75: {  	_ =	shalt  }
0x76: {  	_ =	shalt  }
0x77: {  	_ =	shalt  }
0x78: {  	_ =	shalt  }
0x79: {  	_ =	shalt  }
0x7a: {  	_ =	shalt  }
0x7b: {  	_ =	shalt  }
0x7c: {  	_ =	shalt  }
0x7d: {  	_ =	shalt  }
0x7e: {  	_ =	shalt  }
0x7f: {  	_ =	shalt  }
0x80: {  	_ =	shalt  }
0x81: {  	_ =	shalt  }
0x82: {  	_ =	shalt  }
0x83: {  	_ =	shalt  }
0x84: {  	_ =	shalt  }
0x85: {  	_ =	shalt  }
0x86: {  	_ =	shalt  }
0x87: {  	_ =	shalt  }
.Lfunc_end0:
.L_simem_size_0:
called_computation_lowered:
.L_overlay_start_0:
0x88: {  	s2 =	sld [smem:$0x3FD9]  }
0x89: {  	s3 =	sld [smem:$0x3FFE];
	_ =	sdelay $0x1  }
0x8a: {  	s1 =	srdreg.scid  }
0x8b: {  	s0 =	sand.u32 $0x1, s1  }
0x8c: {  	s17 =	sshll.u32 s0, $0xA;
	s2 =	sadd.s32 s3, s2  }
0x8d: {  	s2 =	sadd.s32 s2, s17  }
0x8e: {  	[smem:$0x3FC6] =	sst s2  }
0x8f: {  	_ = 	snop  }
0x90: {  	s2 =	sld [smem:$0x3FD0];
	(tm) =	ssettm $0x1  }
0x91: {  	s18 =	sld [smem:$0x3FFB];
	_ =	sdelay $0x3  }
0x92: {  	_ =	strace s18  }
0x93: {  	s3 =	sld [smem:$0x3FFC];
	_ =	sdelay $0x3  }
0x94: {  	_ =	strace s3  }
0x95: {  	s3 =	sld [smem:$0x3FFD];
	_ =	sdelay $0x3  }
0x96: {  	_ =	strace s3  }
0x97: {  	_ =	strace $0x8FFFFFFF  }
0x98: {  	s19 =	sld [smem:$0x3FDB];
	_ =	sdelay $0x1  }
0x99: {  	s4 =	simm.s32 $_scs_section_size  }
0x9a: {  	s5 =	simm.s32 $_size__tile_overlayer_lowered;
	s6 =	simm.s32 $_tile_overlayer_lowered  }
0x9b: {  	s22 =	simm.s32 $0x1BFF;
	s21 =	sshll.u32 s6, $0x1;
	s3 =	sadd.s32 s4, s19  }
0x9c: {  	s7 =	simm.s32 $0x0;
	s20 =	sshll.u32 s5, $0x1;
	s5 =	sadd.s32 s21, s3  }
0x9d: {  	[timem:s7], [sflag:s22] =	dma.local [hbm:s5], s20  }
0x9e: {  	_ =	swait.ge [sflag:s22], s20  }
0x9f: {  	s4 =	ssub.s32 $0x0, s20;
	[sflag:s22] =	ssyncset.done $0x0  }
0xa0: {  	[sflag:s22] =	ssyncadd.s32 s4;
	_ =	sdelay $0x1  }
0xa1: {  	s23 =	simm.s32 $0x1B8B  }
0xa2: {  	_ =	swait.ge [sflag:s23], $0x1  }
0xa3: {  	[sflag:s23] =	ssyncset.done $0x0  }
0xa4: {  	s25 =	simm.s32 $0x1B8E;
	s24 =	sld [smem:$0x3FFE];
	[sflag:s23] =	ssyncadd.s32 $0xFFFFFFFF  }
0xa5: {  	s26 =	simm.s32 $execute0_lowered;
	[smem:$0x3FD2] =	sst s25  }
0xa6: {  	s5 =	sshll.u32 s26, $0x1;
	_ =	strace $0x80000046;
	[dreg:$0x1] =	wrdreg $0xFFFFFFFF  }
0xa7: {  	s28 =	simm.s32 $_size_execute0_lowered;
	s3 =	sadd.s32 s3, s5;
	[dreg:$0x0] =	wrdreg $0x0  }
0xa8: {  	s5 =	sshll.u32 s28, $0x1;
	[dreg:$0x2] =	wrdreg s3  }
0xa9: {  	[dreg:$0x3] =	wrdreg s5  }
0xaa: {  	[dreg:$0x4] =	wrdreg $0xC0  }
0xab: {  	_ =	task [dreg:s7], $0x5FFFF  }
0xac: {  	[dreg:$0x1] =	wrdreg $0xFFFFFFFF  }
0xad: {  	[dreg:$0x0] =	wrdreg $0x60  }
0xae: {  	[dreg:$0x2] =	wrdreg s2  }
0xaf: {  	[dreg:$0x3] =	wrdreg s24  }
0xb0: {  	[dreg:$0x4] =	wrdreg $0x9  }
0xb1: {  	_ =	task.clear_ibuf [dreg:s7], $0x5FFFF;
	_ =	strace $0x90000046  }
0xb2: {  	s29 =	simm.s32 $0x9;
	_ =	strace $0x80000048  }
0xb3: {  	_ =	swait.ge [sflag:s29], $0x1  }
0xb4: {  	[sflag:s29] =	ssyncadd.s32 $0xFFFFFFFF  }
0xb5: {  	_ =	strace $0x90000048  }
0xb6: {  	_ =	sfence  }
0xb7: {  	s30 =	sld [smem:$0x0];
	_ =	sdelay $0x2  }
0xb8: {  	s31 =	sshll.u32 s1, $0xD;
	s1 =	sshrl.u32 s1, $0x2  }
0xb9: {  	s3 =	sand.u32 $0x4000, s31;
	s1 =	sadd.s32 s1, s30  }
0xba: {  	s0 =	sor.u32 s3, s0;
	s1 =	sshll.u32 s1, $0x11  }
0xbb: {  	s0 =	sor.u32 s1, s0  }
0xbc: {  	s0 =	sadd.s32 $0x8F2B, s0  }
0xbd: {  	[sflag:s0] =	ssyncadd.remote.s32 $0x1  }
0xbe: {  	_ =	sfence.sel $0xFFFF  }
0xbf: {  	[dreg:$0x0] =	wrdreg $0xFFFFFFFF;
	(pc) =	sbr.abs _section_cstart, $3  }
0xc0: {  	[dreg:$0x1] =	wrdreg $0xFFFFFFFF  }
0xc1: {  	_ =	task.clear_ibuf [dreg:s7], $0x2FFFF;
	_ =	strace $0x9FFFFFFF  }
0xc2: {  	(tm) =	ssettm $0x7FFFFFFF  }
0xc3: {  	_ =	shalt  }
tec
execute0_lowered:
.L_overlay_start_1:
0x0: {  	(tag) =	ssettag $0x1  }
0x1: {  	s4 =	stileid.u32;
	s2 =	rddreg [dreg:$0x0]  }
0x2: {  	s0 =	srdreg.scid;
	s3 =	rddreg [dreg:$0x1];
	s26 =	simm.s32 $0x0  }
0x3: {  	s15 =	simm.s32 $0x80;
	s16 =	simm.s32 $0xC400;
	s18 =	simm.s32 $0x1  }
0x4: {  	s19 =	simm.s32 $0x2;
	s28 =	simm.s32 $0x5;
	s31 =	simm.s32 $0x6  }
0x5: {  	s11 =	simm.s32 $0xD;
	s17 =	simm.s32 $0xB;
	s20 =	simm.s32 $0xC  }
0x6: {  	s1 =	sshll.u32 s4, $0x1;
	s0 =	sand.u32 $0x1, s0;
	s5 =	sshrl.u32 s4, $0x2  }
0x7: {  	[smem:$0x7FF] =	sst s26;
	s1 =	sand.u32 $0x6, s1;
	s10 =	smul.u32 $0x31000, s5  }
0x8: {  	s7 =	sadd.s32 $0x19200, s3;
	s6 =	smul.u32 $0x498000, s5;
	s1 =	sor.u32 s0, s1  }
0x9: {  	s8 =	sadd.s32 $0xA00, s3;
	s0 =	ssub.s32 $0x2, s0;
	s4 =	smul.u32 $0x1880, s1  }
0xa: {  	s9 =	sadd.s32 $0x31A00, s3;
	s1 =	smul.u32 $0x93000, s1;
	s25 =	sshrl.u32 s0, $0x1  }
0xb: {  	_ =	strace $0x80000047;
	[dreg:$0x3] =	wrdreg s10;
	s0 =	ssub.s32 s0, s25  }
0xc: {  	s24 =	sadd.s32 s10, s4;
	s1 =	sadd.s32 s1, s6;
	s0 =	smax.u32 s0, $0x1  }
0xd: {  	s10 =	sshrl.u32 s24, $0x3;
	s3 =	sadd.s32 $0x100, s24;
	[dreg:$0x8] =	wrdreg s0  }
0xe: {  	s1 =	sshrl.u32 s1, $0x3;
	s29 =	sadd.s32 s7, s10;
	[dreg:$0x6] =	wrdreg s3  }
0xf: {  	s30 =	sadd.s32 s8, s10;
	s1 =	sadd.s32 s9, s1;
	[dreg:$0x4] =	wrdreg s29  }
0x10: {  	s5 =	simm.s32 $0x0;
	[dreg:$0x5] =	wrdreg s30;
	s1 =	sadd.s32 $0x12000, s1  }
0x11: {  	s0 =	simm.s32 $0x8;
	[dreg:$0x7] =	wrdreg s1;
	s1 =	simm.s32 $0x7  }
.LBB2_1:
0x12: {  	[dreg:$0x9] =	wrdreg s5  }
0x13: {  	s3 =	rddreg [dreg:$0x4]  }
0x14: {  	[tilespmem:s26], [sflag:$0x1] =	stream.strided.gather [hbm4b:s3+s15], $0x200, s16, s15, $0x38;
	[tilespmem:$0x1E800] =	vst v63  }
0x15: {  	s29 =	rddreg [dreg:$0x5];
	s30 =	simm.s32 $0x400  }
0x16: {  	[tilespmem:s30], [sflag:$0x2] =	stream.strided.gather [hbm4b:s29+s15], $0x200, s16, s15, $0x38;
	[tilespmem:$0x1E800] =	vst v63  }
0x17: {  	_ =	swait.ge [sflag:s18], $0x200  }
0x18: {  	[sflag:s18] =	ssyncset.done $0x0  }
0x19: {  	[sflag:s18] =	ssyncadd.s32 $0xFFFFFE00  }
0x1a: {  	_ =	swait.ge [sflag:s19], $0x200  }
0x1b: {  	[sflag:s19] =	ssyncset.done $0x0  }
0x1c: {  	s21 =	simm.s32 $0x0;
	[sflag:s19] =	ssyncadd.s32 $0xFFFFFE00  }
.LBB2_2:
0x1d: {  	s3 =	simm.s32 $0x0;
	s5 =	simm.s32 $0x800  }
0x1e: {  	[tilespmem:s5], [sflag:$0x5] =	stream.indirect.gather [hbm4b:s2+s15], $0x60, s3, s15, $0xb8;
	[tilespmem:$0x1E800] =	vst v63  }
0x1f: {  	s12 =	simm.s32 $0x3800  }
0x20: {  	[tilespmem:s12], [sflag:$0x6] =	stream.indirect.gather [hbm4b:s2+s15], $0x60, s15, s15, $0xb8;
	[tilespmem:$0x1E800] =	vst v63  }
0x21: {  	s13 =	simm.s32 $0x100;
	s10 =	simm.s32 $0x6800;
	s23 =	sshll.u32 s21, $0x8  }
0x22: {  	[tilespmem:s10], [sflag:$0x7] =	stream.indirect.gather [hbm4b:s2+s15], $0x60, s13, s15, $0xb8;
	[tilespmem:$0x1E800] =	vst v63  }
0x23: {  	s14 =	simm.s32 $0x180;
	s22 =	simm.s32 $0x9800;
	s24 =	sadd.s32 s23, s4  }
0x24: {  	[tilespmem:s22], [sflag:$0x8] =	stream.indirect.gather [hbm4b:s2+s15], $0x60, s14, s15, $0xb8;
	[tilespmem:$0x1E800] =	vst v63  }
0x25: {  	s25 =	rddreg [dreg:$0x3];
	s22 =	sadd.s32 $0x80, s24  }
0x26: {  	s5 =	sadd.s32 s25, s22  }
0x27: {  	s5 =	sshrl.u32 s5, $0x3  }
0x28: {  	s12 =	simm.s32 $0x200;
	s26 =	sadd.s32 s7, s5  }
0x29: {  	[tilespmem:s12], [sflag:$0x3] =	stream.strided.gather [hbm4b:s26+s15], $0x200, s16, s15, $0x38;
	[tilespmem:$0x1E800] =	vst v63  }
0x2a: {  	s29 =	simm.s32 $0x600;
	s30 =	simm.s32 $0x3;
	s5 =	sadd.s32 s8, s5  }
0x2b: {  	[tilespmem:s29], [sflag:$0x4] =	stream.strided.gather [hbm4b:s5+s15], $0x200, s16, s15, $0x38;
	[tilespmem:$0x1E800] =	vst v63  }
0x2c: {  	_ =	swait.ge [sflag:s30], $0x200  }
0x2d: {  	[sflag:s30] =	ssyncset.done $0x0  }
0x2e: {  	s10 =	simm.s32 $0x4;
	[sflag:s30] =	ssyncadd.s32 $0xFFFFFE00  }
0x2f: {  	_ =	swait.ge [sflag:s10], $0x200  }
0x30: {  	[sflag:s10] =	ssyncset.done $0x0  }
0x31: {  	s13 =	simm.s32 $0xC800;
	[sflag:s10] =	ssyncadd.s32 $0xFFFFFE00  }
0x32: {  	[tilespmem:s13], [sflag:$0x9] =	stream.indirect.gather [hbm4b:s2+s15], $0x60, s12, s15, $0xb8;
	[tilespmem:$0x1E800] =	vst v63  }
0x33: {  	s14 =	simm.s32 $0x280;
	s24 =	simm.s32 $0xF800  }
0x34: {  	[tilespmem:s24], [sflag:$0xA] =	stream.indirect.gather [hbm4b:s2+s15], $0x60, s14, s15, $0xb8;
	[tilespmem:$0x1E800] =	vst v63  }
0x35: {  	s25 =	simm.s32 $0x300;
	s26 =	simm.s32 $0x12800  }
0x36: {  	[tilespmem:s26], [sflag:$0xB] =	stream.indirect.gather [hbm4b:s2+s15], $0x60, s25, s15, $0xb8;
	[tilespmem:$0x1E800] =	vst v63  }
0x37: {  	s29 =	simm.s32 $0x380;
	s30 =	simm.s32 $0x15800  }
0x38: {  	[tilespmem:s30], [sflag:$0xC] =	stream.indirect.gather [hbm4b:s2+s15], $0x60, s29, s15, $0xb8;
	[tilespmem:$0x1E800] =	vst v63  }
0x39: {  	_ =	swait.ge [sflag:s28], $0x3000  }
0x3a: {  	[sflag:s28] =	ssyncset.done $0x0  }
0x3b: {  	[sflag:s28] =	ssyncadd.s32 $0xFFFFD000  }
0x3c: {  	_ =	swait.ge [sflag:s31], $0x3000  }
0x3d: {  	[sflag:s31] =	ssyncset.done $0x0  }
0x3e: {  	[sflag:s31] =	ssyncadd.s32 $0xFFFFD000  }
0x3f: {  	_ =	swait.ge [sflag:s1], $0x3000  }
0x40: {  	[sflag:s1] =	ssyncset.done $0x0  }
0x41: {  	[sflag:s1] =	ssyncadd.s32 $0xFFFFD000  }
0x42: {  	s5 =	simm.s32 $0x9850;
	s10 =	simm.s32 $0x6850;
	_ =	swait.ge [sflag:s0], $0x3000  }
0x43: {  	s12 =	simm.s32 $0x18850;
	s24 =	simm.s32 $0x850;
	[sflag:s0] =	ssyncset.done $0x0  }
0x44: {  	s25 =	simm.s32 $0x3850;
	s26 =	simm.s32 $0x0;
	[sflag:s0] =	ssyncadd.s32 $0xFFFFD000  }
.LBB2_3:
0x45: {  	v0 =	vmov s24  }
0x46: {  	s13 =	sshll.u32 s26, $0x4;
	v1 =	vmov s25  }
0x47: {  	v2 =	vld [tilespmem:s13+$0x400]  }
0x48: {  	v3 =	vmov s10;
	v4 =	vld [tilespmem:s13+$0x480]  }
0x49: {  	s29 =	simm.s32 $0x0;
	v6 =	vld [tilespmem:s13+$0x500]  }
0x4a: {  	v5 =	vmov s5;
	v8 =	vmov s3;
	v7 =	vld.idx.msk [tilespmem:v0+s29+$0xFFFFFFB0 ss:$0x1], $0xffff  }
0x4b: {  	v9 =	vand.u32 $0xF, v8;
	v12 =	vld.idx.msk [tilespmem:v1+s29+$0xFFFFFFB0 ss:$0x1], $0xffff  }
0x4c: {  	v8 =	vld [tilespmem:s13+$0x580];
	v13 =	vbroadcast v9, $0x0  }
0x4d: {  	v14 =	vld.idx.msk [tilespmem:v3+s29+$0xFFFFFFB0 ss:$0x1], $0xffff  }
0x4e: {  	v10 =	vperm.xlane v2, v13;
	v11 =	vperm.xlane v4, v13  }
0x4f: {  	v15 =	vld.idx.msk [tilespmem:v5+s29+$0xFFFFFFB0 ss:$0x1], $0xffff;
	v9 =	vperm.xlane v6, v13  }
0x50: {  	v7 =	vmul.f32 v7, v10;
	v16 =	vmul.f32 v12, v11;
	_ =	sdelay $0x1  }
0x51: {  	v12 =	vperm.xlane v8, v13;
	v14 =	vmul.f32 v14, v9;
	v13 =	vadd.f32 v16, v7  }
0x52: {  	v7 =	vmov s12  }
0x53: {  	v13 =	vadd.f32 v14, v13;
	v14 =	vmul.f32 v15, v12;
	_ =	sdelay $0x1  }
0x54: {  	v13 =	vadd.f32 v14, v13;
	_ =	sdelay $0x1  }
0x55: {  	[tilespmem:v7+s29+$0xFFFFFFB0 ss:$0x1] =	vst.idx.msk $0xffff, v13  }
0x56: {  	v13 =	vld.idx.msk [tilespmem:v0+s29+$0xFFFFFFC0 ss:$0x1], $0xffff  }
0x57: {  	v14 =	vld.idx.msk [tilespmem:v1+s29+$0xFFFFFFC0 ss:$0x1], $0xffff;
	_ =	sdelay $0x1  }
0x58: {  	v15 =	vld.idx.msk [tilespmem:v3+s29+$0xFFFFFFC0 ss:$0x1], $0xffff;
	_ =	sdelay $0x1  }
0x59: {  	v60 =	vld.idx.msk [tilespmem:v5+s29+$0xFFFFFFC0 ss:$0x1], $0xffff  }
0x5a: {  	v13 =	vmul.f32 v13, v10;
	v14 =	vmul.f32 v14, v11;
	_ =	sdelay $0x1  }
0x5b: {  	v13 =	vadd.f32 v14, v13;
	v14 =	vmul.f32 v15, v9;
	_ =	sdelay $0x1  }
0x5c: {  	v13 =	vadd.f32 v14, v13;
	v14 =	vmul.f32 v60, v12;
	_ =	sdelay $0x1  }
0x5d: {  	v13 =	vadd.f32 v14, v13;
	_ =	sdelay $0x1  }
0x5e: {  	[tilespmem:v7+s29+$0xFFFFFFC0 ss:$0x1] =	vst.idx.msk $0xffff, v13  }
0x5f: {  	v13 =	vld.idx.msk [tilespmem:v0+s29+$0xFFFFFFD0 ss:$0x1], $0xffff  }
0x60: {  	v14 =	vld.idx.msk [tilespmem:v1+s29+$0xFFFFFFD0 ss:$0x1], $0xffff;
	_ =	sdelay $0x1  }
0x61: {  	v15 =	vld.idx.msk [tilespmem:v3+s29+$0xFFFFFFD0 ss:$0x1], $0xffff;
	_ =	sdelay $0x1  }
0x62: {  	v61 =	vld.idx.msk [tilespmem:v5+s29+$0xFFFFFFD0 ss:$0x1], $0xffff  }
0x63: {  	v13 =	vmul.f32 v13, v10;
	v14 =	vmul.f32 v14, v11;
	_ =	sdelay $0x1  }
0x64: {  	v13 =	vadd.f32 v14, v13;
	v14 =	vmul.f32 v15, v9;
	_ =	sdelay $0x1  }
0x65: {  	v13 =	vadd.f32 v14, v13;
	v14 =	vmul.f32 v61, v12;
	_ =	sdelay $0x1  }
0x66: {  	v13 =	vadd.f32 v14, v13;
	_ =	sdelay $0x1  }
0x67: {  	[tilespmem:v7+s29+$0xFFFFFFD0 ss:$0x1] =	vst.idx.msk $0xffff, v13  }
0x68: {  	v13 =	vld.idx.msk [tilespmem:v0+s29+$0xFFFFFFE0 ss:$0x1], $0xffff  }
0x69: {  	v14 =	vld.idx.msk [tilespmem:v1+s29+$0xFFFFFFE0 ss:$0x1], $0xffff;
	_ =	sdelay $0x1  }
0x6a: {  	v15 =	vld.idx.msk [tilespmem:v3+s29+$0xFFFFFFE0 ss:$0x1], $0xffff;
	_ =	sdelay $0x1  }
0x6b: {  	v62 =	vld.idx.msk [tilespmem:v5+s29+$0xFFFFFFE0 ss:$0x1], $0xffff  }
0x6c: {  	v13 =	vmul.f32 v13, v10;
	v14 =	vmul.f32 v14, v11;
	_ =	sdelay $0x1  }
0x6d: {  	v13 =	vadd.f32 v14, v13;
	v14 =	vmul.f32 v15, v9;
	_ =	sdelay $0x1  }
0x6e: {  	v13 =	vadd.f32 v14, v13;
	v14 =	vmul.f32 v62, v12;
	_ =	sdelay $0x1  }
0x6f: {  	v13 =	vadd.f32 v14, v13;
	_ =	sdelay $0x1  }
0x70: {  	[tilespmem:v7+s29+$0xFFFFFFE0 ss:$0x1] =	vst.idx.msk $0xffff, v13  }
0x71: {  	v13 =	vld.idx.msk [tilespmem:v0+s29+$0xFFFFFFF0 ss:$0x1], $0xffff  }
0x72: {  	v14 =	vld.idx.msk [tilespmem:v1+s29+$0xFFFFFFF0 ss:$0x1], $0xffff;
	_ =	sdelay $0x1  }
0x73: {  	v15 =	vld.idx.msk [tilespmem:v3+s29+$0xFFFFFFF0 ss:$0x1], $0xffff;
	_ =	sdelay $0x1  }
0x74: {  	v63 =	vld.idx.msk [tilespmem:v5+s29+$0xFFFFFFF0 ss:$0x1], $0xffff  }
0x75: {  	v13 =	vmul.f32 v13, v10;
	v14 =	vmul.f32 v14, v11;
	_ =	sdelay $0x1  }
0x76: {  	v13 =	vadd.f32 v14, v13;
	v14 =	vmul.f32 v15, v9;
	_ =	sdelay $0x1  }
0x77: {  	v13 =	vadd.f32 v14, v13;
	v14 =	vmul.f32 v63, v12;
	_ =	sdelay $0x1  }
0x78: {  	v13 =	vadd.f32 v14, v13;
	_ =	sdelay $0x1  }
0x79: {  	[tilespmem:v7+s29+$0xFFFFFFF0 ss:$0x1] =	vst.idx.msk $0xffff, v13  }
0x7a: {  	v13 =	vld.idx.msk [tilespmem:v0+s29+$0x0 ss:$0x1], $0xffff  }
0x7b: {  	s30 =	simm.s32 $0x180;
	s13 =	simm.s32 $0x0;
	v14 =	vld.idx.msk [tilespmem:v1+s29+$0x0 ss:$0x1], $0xffff  }
.LBB2_4:
0x7c: {  	p0 =	sne.s32 s30, $0x1680  }
0x7d: {  	v15 =	vld.idx.msk [tilespmem:v3+s29+$0x0 ss:$0x1], $0xffff;
	s13 =	sadd.s32 $0x1, s13;
	s14 =	smov.u32 s30;
	s30 =	sadd.s32 $0x180, s30  }
0x7e: {  	v16 =	vld.idx.msk [tilespmem:v5+s29+$0x0 ss:$0x1], $0xffff;
	_ =	sdelay $0x3  }
0x7f: {  	v10 =	vmul.f32 v13, v10;
	v11 =	vmul.f32 v14, v11  }
0x80: {  	s14 =	sshra.s32 s14, $0x2  }
0x81: {  	v9 =	vmul.f32 v15, v9;
	v10 =	vadd.f32 v11, v10;
	_ =	sdelay $0x1  }
0x82: {  	v9 =	vadd.f32 v9, v10;
	v10 =	vmul.f32 v16, v12;
	_ =	sdelay $0x1  }
0x83: {  	v9 =	vadd.f32 v10, v9;
	_ =	sdelay $0x1  }
0x84: {  	[tilespmem:v7+s29+$0x0 ss:$0x1] =	vst.idx.msk $0xffff, v9;
	s29 =	smov.u32 s14  }
0x85: {  	v12 =	vld.idx.msk [tilespmem:v0+s29+$0xFFFFFFB0 ss:$0x1], $0xffff  }
0x86: {  	v9 =	vmov s13;
	v13 =	vld.idx.msk [tilespmem:v1+s29+$0xFFFFFFB0 ss:$0x1], $0xffff  }
0x87: {  	v9 =	vand.u32 $0xF, v9  }
0x88: {  	v14 =	vbroadcast v9, $0x0;
	v15 =	vld.idx.msk [tilespmem:v3+s29+$0xFFFFFFB0 ss:$0x1], $0xffff;
	_ =	sdelay $0x1  }
0x89: {  	v10 =	vperm.xlane v2, v14;
	v11 =	vperm.xlane v4, v14;
	v16 =	vld.idx.msk [tilespmem:v5+s29+$0xFFFFFFB0 ss:$0x1], $0xffff  }
0x8a: {  	v9 =	vperm.xlane v6, v14  }
0x8b: {  	v17 =	vmul.f32 v12, v10;
	v13 =	vmul.f32 v13, v11;
	_ =	sdelay $0x1  }
0x8c: {  	v12 =	vperm.xlane v8, v14;
	v13 =	vadd.f32 v13, v17;
	v14 =	vmul.f32 v15, v9;
	_ =	sdelay $0x1  }
0x8d: {  	v13 =	vadd.f32 v14, v13;
	v14 =	vmul.f32 v16, v12;
	_ =	sdelay $0x1  }
0x8e: {  	v13 =	vadd.f32 v14, v13;
	_ =	sdelay $0x1  }
0x8f: {  	[tilespmem:v7+s29+$0xFFFFFFB0 ss:$0x1] =	vst.idx.msk $0xffff, v13  }
0x90: {  	v13 =	vld.idx.msk [tilespmem:v0+s29+$0xFFFFFFC0 ss:$0x1], $0xffff  }
0x91: {  	v14 =	vld.idx.msk [tilespmem:v1+s29+$0xFFFFFFC0 ss:$0x1], $0xffff;
	_ =	sdelay $0x1  }
0x92: {  	v15 =	vld.idx.msk [tilespmem:v3+s29+$0xFFFFFFC0 ss:$0x1], $0xffff;
	_ =	sdelay $0x1  }
0x93: {  	v16 =	vld.idx.msk [tilespmem:v5+s29+$0xFFFFFFC0 ss:$0x1], $0xffff  }
0x94: {  	v13 =	vmul.f32 v13, v10  }
0x95: {  	v14 =	vmul.f32 v14, v11;
	_ =	sdelay $0x1  }
0x96: {  	v13 =	vadd.f32 v14, v13;
	v14 =	vmul.f32 v15, v9;
	_ =	sdelay $0x1  }
0x97: {  	v13 =	vadd.f32 v14, v13;
	v14 =	vmul.f32 v16, v12;
	_ =	sdelay $0x1  }
0x98: {  	v13 =	vadd.f32 v14, v13;
	_ =	sdelay $0x1  }
0x99: {  	[tilespmem:v7+s29+$0xFFFFFFC0 ss:$0x1] =	vst.idx.msk $0xffff, v13  }
0x9a: {  	v13 =	vld.idx.msk [tilespmem:v0+s29+$0xFFFFFFD0 ss:$0x1], $0xffff  }
0x9b: {  	v14 =	vld.idx.msk [tilespmem:v1+s29+$0xFFFFFFD0 ss:$0x1], $0xffff;
	_ =	sdelay $0x1  }
0x9c: {  	v15 =	vld.idx.msk [tilespmem:v3+s29+$0xFFFFFFD0 ss:$0x1], $0xffff;
	_ =	sdelay $0x1  }
0x9d: {  	v16 =	vld.idx.msk [tilespmem:v5+s29+$0xFFFFFFD0 ss:$0x1], $0xffff;
	_ =	sdelay $0x1  }
0x9e: {  	v13 =	vmul.f32 v13, v10;
	v14 =	vmul.f32 v14, v11;
	_ =	sdelay $0x1  }
0x9f: {  	v13 =	vadd.f32 v14, v13;
	v14 =	vmul.f32 v15, v9;
	_ =	sdelay $0x1  }
0xa0: {  	v13 =	vadd.f32 v14, v13;
	v14 =	vmul.f32 v16, v12;
	_ =	sdelay $0x1  }
0xa1: {  	v13 =	vadd.f32 v14, v13;
	_ =	sdelay $0x1  }
0xa2: {  	[tilespmem:v7+s29+$0xFFFFFFD0 ss:$0x1] =	vst.idx.msk $0xffff, v13  }
0xa3: {  	v13 =	vld.idx.msk [tilespmem:v0+s29+$0xFFFFFFE0 ss:$0x1], $0xffff  }
0xa4: {  	v14 =	vld.idx.msk [tilespmem:v1+s29+$0xFFFFFFE0 ss:$0x1], $0xffff  }
0xa5: {  	v15 =	vld.idx.msk [tilespmem:v3+s29+$0xFFFFFFE0 ss:$0x1], $0xffff  }
0xa6: {  	v16 =	vld.idx.msk [tilespmem:v5+s29+$0xFFFFFFE0 ss:$0x1], $0xffff;
	_ =	sdelay $0x2  }
0xa7: {  	v13 =	vmul.f32 v13, v10  }
0xa8: {  	v14 =	vmul.f32 v14, v11;
	_ =	sdelay $0x1  }
0xa9: {  	v13 =	vadd.f32 v14, v13;
	v14 =	vmul.f32 v15, v9;
	_ =	sdelay $0x1  }
0xaa: {  	v13 =	vadd.f32 v14, v13;
	v14 =	vmul.f32 v16, v12;
	_ =	sdelay $0x1  }
0xab: {  	v13 =	vadd.f32 v14, v13;
	_ =	sdelay $0x1  }
0xac: {  	[tilespmem:v7+s29+$0xFFFFFFE0 ss:$0x1] =	vst.idx.msk $0xffff, v13  }
0xad: {  	v13 =	vld.idx.msk [tilespmem:v0+s29+$0xFFFFFFF0 ss:$0x1], $0xffff  }
0xae: {  	v14 =	vld.idx.msk [tilespmem:v1+s29+$0xFFFFFFF0 ss:$0x1], $0xffff  }
0xaf: {  	v15 =	vld.idx.msk [tilespmem:v3+s29+$0xFFFFFFF0 ss:$0x1], $0xffff  }
0xb0: {  	v16 =	vld.idx.msk [tilespmem:v5+s29+$0xFFFFFFF0 ss:$0x1], $0xffff;
	_ =	sdelay $0x3  }
0xb1: {  	v13 =	vmul.f32 v13, v10;
	v14 =	vmul.f32 v14, v11;
	_ =	sdelay $0x1  }
0xb2: {  	v13 =	vadd.f32 v14, v13;
	v14 =	vmul.f32 v15, v9;
	_ =	sdelay $0x1  }
0xb3: {  	v13 =	vadd.f32 v14, v13;
	v14 =	vmul.f32 v16, v12;
	_ =	sdelay $0x1  }
.Ltmp0:
0xb4: {  	v13 =	vadd.f32 v14, v13;
	(pc) =	sbr.rel @p0 .LBB2_4-.Ltmp0, $4  }
0xb5: {  	_ = 	snop  }
0xb6: {  	[tilespmem:v7+s29+$0xFFFFFFF0 ss:$0x1] =	vst.idx.msk $0xffff, v13  }
0xb7: {  	v13 =	vld.idx.msk [tilespmem:v0+s29+$0x0 ss:$0x1], $0xffff  }
0xb8: {  	v14 =	vld.idx.msk [tilespmem:v1+s29+$0x0 ss:$0x1], $0xffff  }
0xb9: {  	_ =	sdelay $0x3  }
0xba: {  	v0 =	vld.idx.msk [tilespmem:v3+s29+$0x0 ss:$0x1], $0xffff;
	_ =	sdelay $0x1  }
0xbb: {  	v1 =	vld.idx.msk [tilespmem:v5+s29+$0x0 ss:$0x1], $0xffff  }
0xbc: {  	v2 =	vmul.f32 v13, v10;
	v63 =	vmul.f32 v14, v11;
	_ =	sdelay $0x1  }
0xbd: {  	s26 =	sadd.s32 $0x1, s26;
	v0 =	vmul.f32 v0, v9;
	v2 =	vadd.f32 v63, v2  }
0xbe: {  	p0 =	sne.s32 s26, $0x8  }
.Ltmp1:
0xbf: {  	v1 =	vmul.f32 v1, v12;
	v0 =	vadd.f32 v0, v2;
	(pc) =	sbr.rel @p0 .LBB2_3-.Ltmp1, $4  }
0xc0: {  	_ = 	snop  }
0xc1: {  	v0 =	vadd.f32 v1, v0  }
0xc2: {  	s24 =	sadd.s32 $0x600, s24;
	s25 =	sadd.s32 $0x600, s25  }
0xc3: {  	s10 =	sadd.s32 $0x600, s10;
	s5 =	sadd.s32 $0x600, s5;
	s12 =	sadd.s32 $0x600, s12;
	[tilespmem:v7+s29+$0x0 ss:$0x1] =	vst.idx.msk $0xffff, v0  }
0xc4: {  	s3 =	sadd.s32 s4, s23  }
0xc5: {  	s3 =	smul.u32 $0x60, s3;
	_ =	sdelay $0x1  }
0xc6: {  	s3 =	sadd.s32 s6, s3  }
0xc7: {  	s3 =	sshrl.u32 s3, $0x3  }
0xc8: {  	s10 =	simm.s32 $0x18800;
	s5 =	sadd.s32 s9, s3;
	s3 =	simm.s32 $0x0  }
0xc9: {  	[hbm4b:s5+s3] =	stream.linear.scatter [tilespmem:s10], [sflag:$0xD], $0x3000, $0x38;
	[tilespmem:$0x1E800] =	vst v63  }
0xca: {  	_ =	swait.ge [sflag:s11], $0x3000  }
0xcb: {  	s24 =	rddreg [dreg:$0x6]  }
0xcc: {  	s5 =	sadd.s32 s23, s24  }
0xcd: {  	[sflag:s11] =	ssyncset.done $0x0;
	s5 =	sshrl.u32 s5, $0x3  }
0xce: {  	[sflag:s11] =	ssyncadd.s32 $0xFFFFD000;
	s25 =	sadd.s32 s7, s5  }
0xcf: {  	[tilespmem:s3], [sflag:$0x1] =	stream.strided.gather [hbm4b:s25+s15], $0x200, s16, s15, $0x38;
	[tilespmem:$0x1E800] =	vst v63  }
0xd0: {  	s26 =	simm.s32 $0x400;
	s29 =	simm.s32 $0x9;
	s5 =	sadd.s32 s8, s5  }
0xd1: {  	[tilespmem:s26], [sflag:$0x2] =	stream.strided.gather [hbm4b:s5+s15], $0x200, s16, s15, $0x38;
	[tilespmem:$0x1E800] =	vst v63  }
0xd2: {  	_ =	swait.ge [sflag:s29], $0x3000  }
0xd3: {  	[sflag:s29] =	ssyncset.done $0x0  }
0xd4: {  	s30 =	simm.s32 $0xA;
	[sflag:s29] =	ssyncadd.s32 $0xFFFFD000  }
0xd5: {  	_ =	swait.ge [sflag:s30], $0x3000  }
0xd6: {  	[sflag:s30] =	ssyncset.done $0x0  }
0xd7: {  	[sflag:s30] =	ssyncadd.s32 $0xFFFFD000  }
0xd8: {  	_ =	swait.ge [sflag:s17], $0x3000  }
0xd9: {  	[sflag:s17] =	ssyncset.done $0x0  }
0xda: {  	[sflag:s17] =	ssyncadd.s32 $0xFFFFD000  }
0xdb: {  	s12 =	simm.s32 $0x1B850;
	s10 =	simm.s32 $0x12850;
	_ =	swait.ge [sflag:s20], $0x3000  }
0xdc: {  	s23 =	simm.s32 $0xC850;
	s24 =	simm.s32 $0xF850;
	[sflag:s20] =	ssyncset.done $0x0  }
0xdd: {  	s25 =	simm.s32 $0x0;
	s5 =	simm.s32 $0x15850;
	[sflag:s20] =	ssyncadd.s32 $0xFFFFD000  }
.LBB2_7:
0xde: {  	v0 =	vmov s23  }
0xdf: {  	s13 =	sshll.u32 s25, $0x4;
	v1 =	vmov s24  }
0xe0: {  	v2 =	vld [tilespmem:s13+$0x600]  }
0xe1: {  	v3 =	vmov s10;
	v4 =	vld [tilespmem:s13+$0x680]  }
0xe2: {  	s26 =	simm.s32 $0x0;
	v6 =	vld [tilespmem:s13+$0x700]  }
0xe3: {  	v5 =	vmov s5;
	v8 =	vmov s3;
	v7 =	vld.idx.msk [tilespmem:v0+s26+$0xFFFFFFB0 ss:$0x1], $0xffff  }
0xe4: {  	v9 =	vand.u32 $0xF, v8;
	v12 =	vld.idx.msk [tilespmem:v1+s26+$0xFFFFFFB0 ss:$0x1], $0xffff  }
0xe5: {  	v8 =	vld [tilespmem:s13+$0x780];
	v13 =	vbroadcast v9, $0x0  }
0xe6: {  	v14 =	vld.idx.msk [tilespmem:v3+s26+$0xFFFFFFB0 ss:$0x1], $0xffff  }
0xe7: {  	v10 =	vperm.xlane v2, v13;
	v11 =	vperm.xlane v4, v13  }
0xe8: {  	v15 =	vld.idx.msk [tilespmem:v5+s26+$0xFFFFFFB0 ss:$0x1], $0xffff;
	v9 =	vperm.xlane v6, v13  }
0xe9: {  	v7 =	vmul.f32 v7, v10;
	v16 =	vmul.f32 v12, v11;
	_ =	sdelay $0x1  }
0xea: {  	v12 =	vperm.xlane v8, v13;
	v14 =	vmul.f32 v14, v9;
	v13 =	vadd.f32 v16, v7  }
0xeb: {  	v7 =	vmov s12  }
0xec: {  	v13 =	vadd.f32 v14, v13;
	v14 =	vmul.f32 v15, v12;
	_ =	sdelay $0x1  }
0xed: {  	v13 =	vadd.f32 v14, v13;
	_ =	sdelay $0x1  }
0xee: {  	[tilespmem:v7+s26+$0xFFFFFFB0 ss:$0x1] =	vst.idx.msk $0xffff, v13  }
0xef: {  	v13 =	vld.idx.msk [tilespmem:v0+s26+$0xFFFFFFC0 ss:$0x1], $0xffff  }
0xf0: {  	v14 =	vld.idx.msk [tilespmem:v1+s26+$0xFFFFFFC0 ss:$0x1], $0xffff;
	_ =	sdelay $0x1  }
0xf1: {  	v15 =	vld.idx.msk [tilespmem:v3+s26+$0xFFFFFFC0 ss:$0x1], $0xffff;
	_ =	sdelay $0x1  }
0xf2: {  	v60 =	vld.idx.msk [tilespmem:v5+s26+$0xFFFFFFC0 ss:$0x1], $0xffff  }
0xf3: {  	v13 =	vmul.f32 v13, v10;
	v14 =	vmul.f32 v14, v11;
	_ =	sdelay $0x1  }
0xf4: {  	v13 =	vadd.f32 v14, v13;
	v14 =	vmul.f32 v15, v9;
	_ =	sdelay $0x1  }
0xf5: {  	v13 =	vadd.f32 v14, v13;
	v14 =	vmul.f32 v60, v12;
	_ =	sdelay $0x1  }
0xf6: {  	v13 =	vadd.f32 v14, v13;
	_ =	sdelay $0x1  }
0xf7: {  	[tilespmem:v7+s26+$0xFFFFFFC0 ss:$0x1] =	vst.idx.msk $0xffff, v13  }
0xf8: {  	v13 =	vld.idx.msk [tilespmem:v0+s26+$0xFFFFFFD0 ss:$0x1], $0xffff  }
0xf9: {  	v14 =	vld.idx.msk [tilespmem:v1+s26+$0xFFFFFFD0 ss:$0x1], $0xffff;
	_ =	sdelay $0x1  }
0xfa: {  	v15 =	vld.idx.msk [tilespmem:v3+s26+$0xFFFFFFD0 ss:$0x1], $0xffff;
	_ =	sdelay $0x1  }
0xfb: {  	v61 =	vld.idx.msk [tilespmem:v5+s26+$0xFFFFFFD0 ss:$0x1], $0xffff  }
0xfc: {  	v13 =	vmul.f32 v13, v10;
	v14 =	vmul.f32 v14, v11;
	_ =	sdelay $0x1  }
0xfd: {  	v13 =	vadd.f32 v14, v13;
	v14 =	vmul.f32 v15, v9;
	_ =	sdelay $0x1  }
0xfe: {  	v13 =	vadd.f32 v14, v13;
	v14 =	vmul.f32 v61, v12;
	_ =	sdelay $0x1  }
0xff: {  	v13 =	vadd.f32 v14, v13;
	_ =	sdelay $0x1  }
0x100: {  	[tilespmem:v7+s26+$0xFFFFFFD0 ss:$0x1] =	vst.idx.msk $0xffff, v13  }
0x101: {  	v13 =	vld.idx.msk [tilespmem:v0+s26+$0xFFFFFFE0 ss:$0x1], $0xffff  }
0x102: {  	v14 =	vld.idx.msk [tilespmem:v1+s26+$0xFFFFFFE0 ss:$0x1], $0xffff;
	_ =	sdelay $0x1  }
0x103: {  	v15 =	vld.idx.msk [tilespmem:v3+s26+$0xFFFFFFE0 ss:$0x1], $0xffff;
	_ =	sdelay $0x1  }
0x104: {  	v62 =	vld.idx.msk [tilespmem:v5+s26+$0xFFFFFFE0 ss:$0x1], $0xffff  }
0x105: {  	v13 =	vmul.f32 v13, v10;
	v14 =	vmul.f32 v14, v11;
	_ =	sdelay $0x1  }
0x106: {  	v13 =	vadd.f32 v14, v13;
	v14 =	vmul.f32 v15, v9;
	_ =	sdelay $0x1  }
0x107: {  	v13 =	vadd.f32 v14, v13;
	v14 =	vmul.f32 v62, v12;
	_ =	sdelay $0x1  }
0x108: {  	v13 =	vadd.f32 v14, v13;
	_ =	sdelay $0x1  }
0x109: {  	[tilespmem:v7+s26+$0xFFFFFFE0 ss:$0x1] =	vst.idx.msk $0xffff, v13  }
0x10a: {  	v13 =	vld.idx.msk [tilespmem:v0+s26+$0xFFFFFFF0 ss:$0x1], $0xffff  }
0x10b: {  	v14 =	vld.idx.msk [tilespmem:v1+s26+$0xFFFFFFF0 ss:$0x1], $0xffff;
	_ =	sdelay $0x1  }
0x10c: {  	v15 =	vld.idx.msk [tilespmem:v3+s26+$0xFFFFFFF0 ss:$0x1], $0xffff;
	_ =	sdelay $0x1  }
0x10d: {  	v63 =	vld.idx.msk [tilespmem:v5+s26+$0xFFFFFFF0 ss:$0x1], $0xffff  }
0x10e: {  	v13 =	vmul.f32 v13, v10;
	v14 =	vmul.f32 v14, v11;
	_ =	sdelay $0x1  }
0x10f: {  	v13 =	vadd.f32 v14, v13;
	v14 =	vmul.f32 v15, v9;
	_ =	sdelay $0x1  }
0x110: {  	v13 =	vadd.f32 v14, v13;
	v14 =	vmul.f32 v63, v12;
	_ =	sdelay $0x1  }
0x111: {  	v13 =	vadd.f32 v14, v13;
	_ =	sdelay $0x1  }
0x112: {  	[tilespmem:v7+s26+$0xFFFFFFF0 ss:$0x1] =	vst.idx.msk $0xffff, v13  }
0x113: {  	v13 =	vld.idx.msk [tilespmem:v0+s26+$0x0 ss:$0x1], $0xffff  }
0x114: {  	s29 =	simm.s32 $0x180;
	s13 =	simm.s32 $0x0;
	v14 =	vld.idx.msk [tilespmem:v1+s26+$0x0 ss:$0x1], $0xffff  }
.LBB2_8:
0x115: {  	p0 =	sne.s32 s29, $0x1680  }
0x116: {  	v15 =	vld.idx.msk [tilespmem:v3+s26+$0x0 ss:$0x1], $0xffff;
	s13 =	sadd.s32 $0x1, s13;
	s14 =	smov.u32 s29;
	s29 =	sadd.s32 $0x180, s29  }
0x117: {  	v16 =	vld.idx.msk [tilespmem:v5+s26+$0x0 ss:$0x1], $0xffff;
	_ =	sdelay $0x3  }
0x118: {  	v10 =	vmul.f32 v13, v10;
	v11 =	vmul.f32 v14, v11  }
0x119: {  	s14 =	sshra.s32 s14, $0x2  }
0x11a: {  	v9 =	vmul.f32 v15, v9;
	v10 =	vadd.f32 v11, v10;
	_ =	sdelay $0x1  }
0x11b: {  	v9 =	vadd.f32 v9, v10;
	v10 =	vmul.f32 v16, v12;
	_ =	sdelay $0x1  }
0x11c: {  	v9 =	vadd.f32 v10, v9;
	_ =	sdelay $0x1  }
0x11d: {  	[tilespmem:v7+s26+$0x0 ss:$0x1] =	vst.idx.msk $0xffff, v9;
	s26 =	smov.u32 s14  }
0x11e: {  	v12 =	vld.idx.msk [tilespmem:v0+s26+$0xFFFFFFB0 ss:$0x1], $0xffff  }
0x11f: {  	v9 =	vmov s13;
	v13 =	vld.idx.msk [tilespmem:v1+s26+$0xFFFFFFB0 ss:$0x1], $0xffff  }
0x120: {  	v9 =	vand.u32 $0xF, v9  }
0x121: {  	v14 =	vbroadcast v9, $0x0;
	v15 =	vld.idx.msk [tilespmem:v3+s26+$0xFFFFFFB0 ss:$0x1], $0xffff;
	_ =	sdelay $0x1  }
0x122: {  	v10 =	vperm.xlane v2, v14;
	v11 =	vperm.xlane v4, v14;
	v16 =	vld.idx.msk [tilespmem:v5+s26+$0xFFFFFFB0 ss:$0x1], $0xffff  }
0x123: {  	v9 =	vperm.xlane v6, v14  }
0x124: {  	v17 =	vmul.f32 v12, v10;
	v13 =	vmul.f32 v13, v11;
	_ =	sdelay $0x1  }
0x125: {  	v12 =	vperm.xlane v8, v14;
	v13 =	vadd.f32 v13, v17;
	v14 =	vmul.f32 v15, v9;
	_ =	sdelay $0x1  }
0x126: {  	v13 =	vadd.f32 v14, v13;
	v14 =	vmul.f32 v16, v12;
	_ =	sdelay $0x1  }
0x127: {  	v13 =	vadd.f32 v14, v13;
	_ =	sdelay $0x1  }
0x128: {  	[tilespmem:v7+s26+$0xFFFFFFB0 ss:$0x1] =	vst.idx.msk $0xffff, v13  }
0x129: {  	v13 =	vld.idx.msk [tilespmem:v0+s26+$0xFFFFFFC0 ss:$0x1], $0xffff  }
0x12a: {  	v14 =	vld.idx.msk [tilespmem:v1+s26+$0xFFFFFFC0 ss:$0x1], $0xffff;
	_ =	sdelay $0x1  }
0x12b: {  	v15 =	vld.idx.msk [tilespmem:v3+s26+$0xFFFFFFC0 ss:$0x1], $0xffff;
	_ =	sdelay $0x1  }
0x12c: {  	v16 =	vld.idx.msk [tilespmem:v5+s26+$0xFFFFFFC0 ss:$0x1], $0xffff  }
0x12d: {  	v13 =	vmul.f32 v13, v10  }
0x12e: {  	v14 =	vmul.f32 v14, v11;
	_ =	sdelay $0x1  }
0x12f: {  	v13 =	vadd.f32 v14, v13;
	v14 =	vmul.f32 v15, v9;
	_ =	sdelay $0x1  }
0x130: {  	v13 =	vadd.f32 v14, v13;
	v14 =	vmul.f32 v16, v12;
	_ =	sdelay $0x1  }
0x131: {  	v13 =	vadd.f32 v14, v13;
	_ =	sdelay $0x1  }
0x132: {  	[tilespmem:v7+s26+$0xFFFFFFC0 ss:$0x1] =	vst.idx.msk $0xffff, v13  }
0x133: {  	v13 =	vld.idx.msk [tilespmem:v0+s26+$0xFFFFFFD0 ss:$0x1], $0xffff  }
0x134: {  	v14 =	vld.idx.msk [tilespmem:v1+s26+$0xFFFFFFD0 ss:$0x1], $0xffff;
	_ =	sdelay $0x1  }
0x135: {  	v15 =	vld.idx.msk [tilespmem:v3+s26+$0xFFFFFFD0 ss:$0x1], $0xffff;
	_ =	sdelay $0x1  }
0x136: {  	v16 =	vld.idx.msk [tilespmem:v5+s26+$0xFFFFFFD0 ss:$0x1], $0xffff;
	_ =	sdelay $0x1  }
0x137: {  	v13 =	vmul.f32 v13, v10;
	v14 =	vmul.f32 v14, v11;
	_ =	sdelay $0x1  }
0x138: {  	v13 =	vadd.f32 v14, v13;
	v14 =	vmul.f32 v15, v9;
	_ =	sdelay $0x1  }
0x139: {  	v13 =	vadd.f32 v14, v13;
	v14 =	vmul.f32 v16, v12;
	_ =	sdelay $0x1  }
0x13a: {  	v13 =	vadd.f32 v14, v13;
	_ =	sdelay $0x1  }
0x13b: {  	[tilespmem:v7+s26+$0xFFFFFFD0 ss:$0x1] =	vst.idx.msk $0xffff, v13  }
0x13c: {  	v13 =	vld.idx.msk [tilespmem:v0+s26+$0xFFFFFFE0 ss:$0x1], $0xffff  }
0x13d: {  	v14 =	vld.idx.msk [tilespmem:v1+s26+$0xFFFFFFE0 ss:$0x1], $0xffff  }
0x13e: {  	v15 =	vld.idx.msk [tilespmem:v3+s26+$0xFFFFFFE0 ss:$0x1], $0xffff  }
0x13f: {  	v16 =	vld.idx.msk [tilespmem:v5+s26+$0xFFFFFFE0 ss:$0x1], $0xffff;
	_ =	sdelay $0x2  }
0x140: {  	v13 =	vmul.f32 v13, v10  }
0x141: {  	v14 =	vmul.f32 v14, v11;
	_ =	sdelay $0x1  }
0x142: {  	v13 =	vadd.f32 v14, v13;
	v14 =	vmul.f32 v15, v9;
	_ =	sdelay $0x1  }
0x143: {  	v13 =	vadd.f32 v14, v13;
	v14 =	vmul.f32 v16, v12;
	_ =	sdelay $0x1  }
0x144: {  	v13 =	vadd.f32 v14, v13;
	_ =	sdelay $0x1  }
0x145: {  	[tilespmem:v7+s26+$0xFFFFFFE0 ss:$0x1] =	vst.idx.msk $0xffff, v13  }
0x146: {  	v13 =	vld.idx.msk [tilespmem:v0+s26+$0xFFFFFFF0 ss:$0x1], $0xffff  }
0x147: {  	v14 =	vld.idx.msk [tilespmem:v1+s26+$0xFFFFFFF0 ss:$0x1], $0xffff  }
0x148: {  	v15 =	vld.idx.msk [tilespmem:v3+s26+$0xFFFFFFF0 ss:$0x1], $0xffff  }
0x149: {  	v16 =	vld.idx.msk [tilespmem:v5+s26+$0xFFFFFFF0 ss:$0x1], $0xffff;
	_ =	sdelay $0x3  }
0x14a: {  	v13 =	vmul.f32 v13, v10;
	v14 =	vmul.f32 v14, v11;
	_ =	sdelay $0x1  }
0x14b: {  	v13 =	vadd.f32 v14, v13;
	v14 =	vmul.f32 v15, v9;
	_ =	sdelay $0x1  }
0x14c: {  	v13 =	vadd.f32 v14, v13;
	v14 =	vmul.f32 v16, v12;
	_ =	sdelay $0x1  }
.Ltmp2:
0x14d: {  	v13 =	vadd.f32 v14, v13;
	(pc) =	sbr.rel @p0 .LBB2_8-.Ltmp2, $4  }
0x14e: {  	_ = 	snop  }
0x14f: {  	[tilespmem:v7+s26+$0xFFFFFFF0 ss:$0x1] =	vst.idx.msk $0xffff, v13  }
0x150: {  	v13 =	vld.idx.msk [tilespmem:v0+s26+$0x0 ss:$0x1], $0xffff  }
0x151: {  	v14 =	vld.idx.msk [tilespmem:v1+s26+$0x0 ss:$0x1], $0xffff  }
0x152: {  	_ =	sdelay $0x3  }
0x153: {  	v0 =	vld.idx.msk [tilespmem:v3+s26+$0x0 ss:$0x1], $0xffff;
	_ =	sdelay $0x1  }
0x154: {  	v1 =	vld.idx.msk [tilespmem:v5+s26+$0x0 ss:$0x1], $0xffff  }
0x155: {  	v2 =	vmul.f32 v13, v10;
	v63 =	vmul.f32 v14, v11;
	_ =	sdelay $0x1  }
0x156: {  	s25 =	sadd.s32 $0x1, s25;
	v0 =	vmul.f32 v0, v9;
	v2 =	vadd.f32 v63, v2  }
0x157: {  	p0 =	sne.s32 s25, $0x8  }
.Ltmp3:
0x158: {  	v1 =	vmul.f32 v1, v12;
	v0 =	vadd.f32 v0, v2;
	(pc) =	sbr.rel @p0 .LBB2_7-.Ltmp3, $4  }
0x159: {  	_ = 	snop  }
0x15a: {  	v0 =	vadd.f32 v1, v0  }
0x15b: {  	s23 =	sadd.s32 $0x600, s23;
	s24 =	sadd.s32 $0x600, s24  }
0x15c: {  	s10 =	sadd.s32 $0x600, s10;
	s5 =	sadd.s32 $0x600, s5;
	s12 =	sadd.s32 $0x600, s12;
	[tilespmem:v7+s26+$0x0 ss:$0x1] =	vst.idx.msk $0xffff, v0  }
0x15d: {  	s3 =	smul.u32 $0x60, s22;
	_ =	sdelay $0x1  }
0x15e: {  	s3 =	sadd.s32 s6, s3  }
0x15f: {  	s3 =	sshrl.u32 s3, $0x3  }
0x160: {  	s26 =	simm.s32 $0x0;
	s5 =	simm.s32 $0x1B800;
	s3 =	sadd.s32 s9, s3  }
0x161: {  	[hbm4b:s3+s26] =	stream.linear.scatter [tilespmem:s5], [sflag:$0xD], $0x3000, $0x38;
	[tilespmem:$0x1E800] =	vst v63  }
0x162: {  	_ =	swait.ge [sflag:s11], $0x3000  }
0x163: {  	[sflag:s11] =	ssyncset.done $0x0  }
0x164: {  	s21 =	sadd.s32 $0x1, s21;
	[sflag:s11] =	ssyncadd.s32 $0xFFFFD000  }
0x165: {  	p0 =	sne.s32 s21, $0x18;
	_ =	swait.ge [sflag:s18], $0x200  }
.Ltmp4:
0x166: {  	[sflag:s18] =	ssyncset.done $0x0;
	(pc) =	sbr.rel @p0 .LBB2_2-.Ltmp4, $4  }
0x167: {  	[sflag:s18] =	ssyncadd.s32 $0xFFFFFE00  }
0x168: {  	_ =	swait.ge [sflag:s19], $0x200  }
0x169: {  	[sflag:s19] =	ssyncset.done $0x0  }
0x16a: {  	[sflag:s19] =	ssyncadd.s32 $0xFFFFFE00  }
0x16b: {  	s3 =	simm.s32 $0x0;
	s5 =	simm.s32 $0x800  }
0x16c: {  	[tilespmem:s5], [sflag:$0x5] =	stream.indirect.gather [hbm4b:s2+s15], $0x60, s3, s15, $0xb8;
	[tilespmem:$0x1E800] =	vst v63  }
0x16d: {  	s24 =	simm.s32 $0x3800  }
0x16e: {  	[tilespmem:s24], [sflag:$0x6] =	stream.indirect.gather [hbm4b:s2+s15], $0x60, s15, s15, $0xb8;
	[tilespmem:$0x1E800] =	vst v63  }
0x16f: {  	s25 =	simm.s32 $0x100;
	s10 =	simm.s32 $0x6800  }
0x170: {  	[tilespmem:s10], [sflag:$0x7] =	stream.indirect.gather [hbm4b:s2+s15], $0x60, s25, s15, $0xb8;
	[tilespmem:$0x1E800] =	vst v63  }
0x171: {  	s29 =	simm.s32 $0x180;
	s30 =	simm.s32 $0x9800  }
0x172: {  	[tilespmem:s30], [sflag:$0x8] =	stream.indirect.gather [hbm4b:s2+s15], $0x60, s29, s15, $0xb8;
	[tilespmem:$0x1E800] =	vst v63  }
0x173: {  	_ =	swait.ge [sflag:s28], $0x3000  }
0x174: {  	[sflag:s28] =	ssyncset.done $0x0  }
0x175: {  	[sflag:s28] =	ssyncadd.s32 $0xFFFFD000  }
0x176: {  	_ =	swait.ge [sflag:s31], $0x3000  }
0x177: {  	[sflag:s31] =	ssyncset.done $0x0  }
0x178: {  	[sflag:s31] =	ssyncadd.s32 $0xFFFFD000  }
0x179: {  	_ =	swait.ge [sflag:s1], $0x3000  }
0x17a: {  	[sflag:s1] =	ssyncset.done $0x0  }
0x17b: {  	[sflag:s1] =	ssyncadd.s32 $0xFFFFD000  }
0x17c: {  	s21 =	simm.s32 $0x850;
	s22 =	simm.s32 $0x3850;
	_ =	swait.ge [sflag:s0], $0x3000  }
0x17d: {  	s12 =	simm.s32 $0x18850;
	s23 =	simm.s32 $0x0;
	[sflag:s0] =	ssyncset.done $0x0  }
0x17e: {  	s5 =	simm.s32 $0x9850;
	s10 =	simm.s32 $0x6850;
	[sflag:s0] =	ssyncadd.s32 $0xFFFFD000  }
.LBB2_12:
0x17f: {  	v0 =	vmov s21  }
0x180: {  	s13 =	sshll.u32 s23, $0x4;
	v1 =	vmov s22  }
0x181: {  	v2 =	vld [tilespmem:s13+$0x400]  }
0x182: {  	v3 =	vmov s10;
	v4 =	vld [tilespmem:s13+$0x480]  }
0x183: {  	s24 =	simm.s32 $0x0;
	v6 =	vld [tilespmem:s13+$0x500]  }
0x184: {  	v5 =	vmov s5;
	v8 =	vmov s3;
	v7 =	vld.idx.msk [tilespmem:v0+s24+$0xFFFFFFB0 ss:$0x1], $0xffff  }
0x185: {  	v9 =	vand.u32 $0xF, v8;
	v12 =	vld.idx.msk [tilespmem:v1+s24+$0xFFFFFFB0 ss:$0x1], $0xffff  }
0x186: {  	v8 =	vld [tilespmem:s13+$0x580];
	v13 =	vbroadcast v9, $0x0  }
0x187: {  	v14 =	vld.idx.msk [tilespmem:v3+s24+$0xFFFFFFB0 ss:$0x1], $0xffff  }
0x188: {  	v10 =	vperm.xlane v2, v13;
	v11 =	vperm.xlane v4, v13  }
0x189: {  	v15 =	vld.idx.msk [tilespmem:v5+s24+$0xFFFFFFB0 ss:$0x1], $0xffff;
	v9 =	vperm.xlane v6, v13  }
0x18a: {  	v7 =	vmul.f32 v7, v10;
	v16 =	vmul.f32 v12, v11;
	_ =	sdelay $0x1  }
0x18b: {  	v12 =	vperm.xlane v8, v13;
	v14 =	vmul.f32 v14, v9;
	v13 =	vadd.f32 v16, v7  }
0x18c: {  	v7 =	vmov s12  }
0x18d: {  	v13 =	vadd.f32 v14, v13;
	v14 =	vmul.f32 v15, v12;
	_ =	sdelay $0x1  }
0x18e: {  	v13 =	vadd.f32 v14, v13;
	_ =	sdelay $0x1  }
0x18f: {  	[tilespmem:v7+s24+$0xFFFFFFB0 ss:$0x1] =	vst.idx.msk $0xffff, v13  }
0x190: {  	v13 =	vld.idx.msk [tilespmem:v0+s24+$0xFFFFFFC0 ss:$0x1], $0xffff  }
0x191: {  	v14 =	vld.idx.msk [tilespmem:v1+s24+$0xFFFFFFC0 ss:$0x1], $0xffff;
	_ =	sdelay $0x1  }
0x192: {  	v15 =	vld.idx.msk [tilespmem:v3+s24+$0xFFFFFFC0 ss:$0x1], $0xffff;
	_ =	sdelay $0x1  }
0x193: {  	v60 =	vld.idx.msk [tilespmem:v5+s24+$0xFFFFFFC0 ss:$0x1], $0xffff  }
0x194: {  	v13 =	vmul.f32 v13, v10;
	v14 =	vmul.f32 v14, v11;
	_ =	sdelay $0x1  }
0x195: {  	v13 =	vadd.f32 v14, v13;
	v14 =	vmul.f32 v15, v9;
	_ =	sdelay $0x1  }
0x196: {  	v13 =	vadd.f32 v14, v13;
	v14 =	vmul.f32 v60, v12;
	_ =	sdelay $0x1  }
0x197: {  	v13 =	vadd.f32 v14, v13;
	_ =	sdelay $0x1  }
0x198: {  	[tilespmem:v7+s24+$0xFFFFFFC0 ss:$0x1] =	vst.idx.msk $0xffff, v13  }
0x199: {  	v13 =	vld.idx.msk [tilespmem:v0+s24+$0xFFFFFFD0 ss:$0x1], $0xffff  }
0x19a: {  	v14 =	vld.idx.msk [tilespmem:v1+s24+$0xFFFFFFD0 ss:$0x1], $0xffff;
	_ =	sdelay $0x1  }
0x19b: {  	v15 =	vld.idx.msk [tilespmem:v3+s24+$0xFFFFFFD0 ss:$0x1], $0xffff;
	_ =	sdelay $0x1  }
0x19c: {  	v61 =	vld.idx.msk [tilespmem:v5+s24+$0xFFFFFFD0 ss:$0x1], $0xffff  }
0x19d: {  	v13 =	vmul.f32 v13, v10;
	v14 =	vmul.f32 v14, v11;
	_ =	sdelay $0x1  }
0x19e: {  	v13 =	vadd.f32 v14, v13;
	v14 =	vmul.f32 v15, v9;
	_ =	sdelay $0x1  }
0x19f: {  	v13 =	vadd.f32 v14, v13;
	v14 =	vmul.f32 v61, v12;
	_ =	sdelay $0x1  }
0x1a0: {  	v13 =	vadd.f32 v14, v13;
	_ =	sdelay $0x1  }
0x1a1: {  	[tilespmem:v7+s24+$0xFFFFFFD0 ss:$0x1] =	vst.idx.msk $0xffff, v13  }
0x1a2: {  	v13 =	vld.idx.msk [tilespmem:v0+s24+$0xFFFFFFE0 ss:$0x1], $0xffff  }
0x1a3: {  	v14 =	vld.idx.msk [tilespmem:v1+s24+$0xFFFFFFE0 ss:$0x1], $0xffff;
	_ =	sdelay $0x1  }
0x1a4: {  	v15 =	vld.idx.msk [tilespmem:v3+s24+$0xFFFFFFE0 ss:$0x1], $0xffff;
	_ =	sdelay $0x1  }
0x1a5: {  	v62 =	vld.idx.msk [tilespmem:v5+s24+$0xFFFFFFE0 ss:$0x1], $0xffff  }
0x1a6: {  	v13 =	vmul.f32 v13, v10;
	v14 =	vmul.f32 v14, v11;
	_ =	sdelay $0x1  }
0x1a7: {  	v13 =	vadd.f32 v14, v13;
	v14 =	vmul.f32 v15, v9;
	_ =	sdelay $0x1  }
0x1a8: {  	v13 =	vadd.f32 v14, v13;
	v14 =	vmul.f32 v62, v12;
	_ =	sdelay $0x1  }
0x1a9: {  	v13 =	vadd.f32 v14, v13;
	_ =	sdelay $0x1  }
0x1aa: {  	[tilespmem:v7+s24+$0xFFFFFFE0 ss:$0x1] =	vst.idx.msk $0xffff, v13  }
0x1ab: {  	v13 =	vld.idx.msk [tilespmem:v0+s24+$0xFFFFFFF0 ss:$0x1], $0xffff  }
0x1ac: {  	v14 =	vld.idx.msk [tilespmem:v1+s24+$0xFFFFFFF0 ss:$0x1], $0xffff;
	_ =	sdelay $0x1  }
0x1ad: {  	v15 =	vld.idx.msk [tilespmem:v3+s24+$0xFFFFFFF0 ss:$0x1], $0xffff;
	_ =	sdelay $0x1  }
0x1ae: {  	v63 =	vld.idx.msk [tilespmem:v5+s24+$0xFFFFFFF0 ss:$0x1], $0xffff  }
0x1af: {  	v13 =	vmul.f32 v13, v10;
	v14 =	vmul.f32 v14, v11;
	_ =	sdelay $0x1  }
0x1b0: {  	v13 =	vadd.f32 v14, v13;
	v14 =	vmul.f32 v15, v9;
	_ =	sdelay $0x1  }
0x1b1: {  	v13 =	vadd.f32 v14, v13;
	v14 =	vmul.f32 v63, v12;
	_ =	sdelay $0x1  }
0x1b2: {  	v13 =	vadd.f32 v14, v13;
	_ =	sdelay $0x1  }
0x1b3: {  	[tilespmem:v7+s24+$0xFFFFFFF0 ss:$0x1] =	vst.idx.msk $0xffff, v13  }
0x1b4: {  	v13 =	vld.idx.msk [tilespmem:v0+s24+$0x0 ss:$0x1], $0xffff  }
0x1b5: {  	s25 =	simm.s32 $0x180;
	s13 =	simm.s32 $0x0;
	v14 =	vld.idx.msk [tilespmem:v1+s24+$0x0 ss:$0x1], $0xffff  }
.LBB2_13:
0x1b6: {  	p0 =	sne.s32 s25, $0x1680  }
0x1b7: {  	v15 =	vld.idx.msk [tilespmem:v3+s24+$0x0 ss:$0x1], $0xffff;
	s13 =	sadd.s32 $0x1, s13;
	s14 =	smov.u32 s25;
	s25 =	sadd.s32 $0x180, s25  }
0x1b8: {  	v16 =	vld.idx.msk [tilespmem:v5+s24+$0x0 ss:$0x1], $0xffff;
	_ =	sdelay $0x3  }
0x1b9: {  	v10 =	vmul.f32 v13, v10;
	v11 =	vmul.f32 v14, v11  }
0x1ba: {  	s14 =	sshra.s32 s14, $0x2  }
0x1bb: {  	v9 =	vmul.f32 v15, v9;
	v10 =	vadd.f32 v11, v10;
	_ =	sdelay $0x1  }
0x1bc: {  	v9 =	vadd.f32 v9, v10;
	v10 =	vmul.f32 v16, v12;
	_ =	sdelay $0x1  }
0x1bd: {  	v9 =	vadd.f32 v10, v9;
	_ =	sdelay $0x1  }
0x1be: {  	[tilespmem:v7+s24+$0x0 ss:$0x1] =	vst.idx.msk $0xffff, v9;
	s24 =	smov.u32 s14  }
0x1bf: {  	v12 =	vld.idx.msk [tilespmem:v0+s24+$0xFFFFFFB0 ss:$0x1], $0xffff  }
0x1c0: {  	v9 =	vmov s13;
	v13 =	vld.idx.msk [tilespmem:v1+s24+$0xFFFFFFB0 ss:$0x1], $0xffff  }
0x1c1: {  	v9 =	vand.u32 $0xF, v9  }
0x1c2: {  	v14 =	vbroadcast v9, $0x0;
	v15 =	vld.idx.msk [tilespmem:v3+s24+$0xFFFFFFB0 ss:$0x1], $0xffff;
	_ =	sdelay $0x1  }
0x1c3: {  	v10 =	vperm.xlane v2, v14;
	v11 =	vperm.xlane v4, v14;
	v16 =	vld.idx.msk [tilespmem:v5+s24+$0xFFFFFFB0 ss:$0x1], $0xffff  }
0x1c4: {  	v9 =	vperm.xlane v6, v14  }
0x1c5: {  	v17 =	vmul.f32 v12, v10;
	v13 =	vmul.f32 v13, v11;
	_ =	sdelay $0x1  }
0x1c6: {  	v12 =	vperm.xlane v8, v14;
	v13 =	vadd.f32 v13, v17;
	v14 =	vmul.f32 v15, v9;
	_ =	sdelay $0x1  }
0x1c7: {  	v13 =	vadd.f32 v14, v13;
	v14 =	vmul.f32 v16, v12;
	_ =	sdelay $0x1  }
0x1c8: {  	v13 =	vadd.f32 v14, v13;
	_ =	sdelay $0x1  }
0x1c9: {  	[tilespmem:v7+s24+$0xFFFFFFB0 ss:$0x1] =	vst.idx.msk $0xffff, v13  }
0x1ca: {  	v13 =	vld.idx.msk [tilespmem:v0+s24+$0xFFFFFFC0 ss:$0x1], $0xffff  }
0x1cb: {  	v14 =	vld.idx.msk [tilespmem:v1+s24+$0xFFFFFFC0 ss:$0x1], $0xffff;
	_ =	sdelay $0x1  }
0x1cc: {  	v15 =	vld.idx.msk [tilespmem:v3+s24+$0xFFFFFFC0 ss:$0x1], $0xffff;
	_ =	sdelay $0x1  }
0x1cd: {  	v16 =	vld.idx.msk [tilespmem:v5+s24+$0xFFFFFFC0 ss:$0x1], $0xffff  }
0x1ce: {  	v13 =	vmul.f32 v13, v10  }
0x1cf: {  	v14 =	vmul.f32 v14, v11;
	_ =	sdelay $0x1  }
0x1d0: {  	v13 =	vadd.f32 v14, v13;
	v14 =	vmul.f32 v15, v9;
	_ =	sdelay $0x1  }
0x1d1: {  	v13 =	vadd.f32 v14, v13;
	v14 =	vmul.f32 v16, v12;
	_ =	sdelay $0x1  }
0x1d2: {  	v13 =	vadd.f32 v14, v13;
	_ =	sdelay $0x1  }
0x1d3: {  	[tilespmem:v7+s24+$0xFFFFFFC0 ss:$0x1] =	vst.idx.msk $0xffff, v13  }
0x1d4: {  	v13 =	vld.idx.msk [tilespmem:v0+s24+$0xFFFFFFD0 ss:$0x1], $0xffff  }
0x1d5: {  	v14 =	vld.idx.msk [tilespmem:v1+s24+$0xFFFFFFD0 ss:$0x1], $0xffff;
	_ =	sdelay $0x1  }
0x1d6: {  	v15 =	vld.idx.msk [tilespmem:v3+s24+$0xFFFFFFD0 ss:$0x1], $0xffff;
	_ =	sdelay $0x1  }
0x1d7: {  	v16 =	vld.idx.msk [tilespmem:v5+s24+$0xFFFFFFD0 ss:$0x1], $0xffff;
	_ =	sdelay $0x1  }
0x1d8: {  	v13 =	vmul.f32 v13, v10;
	v14 =	vmul.f32 v14, v11;
	_ =	sdelay $0x1  }
0x1d9: {  	v13 =	vadd.f32 v14, v13;
	v14 =	vmul.f32 v15, v9;
	_ =	sdelay $0x1  }
0x1da: {  	v13 =	vadd.f32 v14, v13;
	v14 =	vmul.f32 v16, v12;
	_ =	sdelay $0x1  }
0x1db: {  	v13 =	vadd.f32 v14, v13;
	_ =	sdelay $0x1  }
0x1dc: {  	[tilespmem:v7+s24+$0xFFFFFFD0 ss:$0x1] =	vst.idx.msk $0xffff, v13  }
0x1dd: {  	v13 =	vld.idx.msk [tilespmem:v0+s24+$0xFFFFFFE0 ss:$0x1], $0xffff  }
0x1de: {  	v14 =	vld.idx.msk [tilespmem:v1+s24+$0xFFFFFFE0 ss:$0x1], $0xffff  }
0x1df: {  	v15 =	vld.idx.msk [tilespmem:v3+s24+$0xFFFFFFE0 ss:$0x1], $0xffff  }
0x1e0: {  	v16 =	vld.idx.msk [tilespmem:v5+s24+$0xFFFFFFE0 ss:$0x1], $0xffff;
	_ =	sdelay $0x2  }
0x1e1: {  	v13 =	vmul.f32 v13, v10  }
0x1e2: {  	v14 =	vmul.f32 v14, v11;
	_ =	sdelay $0x1  }
0x1e3: {  	v13 =	vadd.f32 v14, v13;
	v14 =	vmul.f32 v15, v9;
	_ =	sdelay $0x1  }
0x1e4: {  	v13 =	vadd.f32 v14, v13;
	v14 =	vmul.f32 v16, v12;
	_ =	sdelay $0x1  }
0x1e5: {  	v13 =	vadd.f32 v14, v13;
	_ =	sdelay $0x1  }
0x1e6: {  	[tilespmem:v7+s24+$0xFFFFFFE0 ss:$0x1] =	vst.idx.msk $0xffff, v13  }
0x1e7: {  	v13 =	vld.idx.msk [tilespmem:v0+s24+$0xFFFFFFF0 ss:$0x1], $0xffff  }
0x1e8: {  	v14 =	vld.idx.msk [tilespmem:v1+s24+$0xFFFFFFF0 ss:$0x1], $0xffff  }
0x1e9: {  	v15 =	vld.idx.msk [tilespmem:v3+s24+$0xFFFFFFF0 ss:$0x1], $0xffff  }
0x1ea: {  	v16 =	vld.idx.msk [tilespmem:v5+s24+$0xFFFFFFF0 ss:$0x1], $0xffff;
	_ =	sdelay $0x3  }
0x1eb: {  	v13 =	vmul.f32 v13, v10;
	v14 =	vmul.f32 v14, v11;
	_ =	sdelay $0x1  }
0x1ec: {  	v13 =	vadd.f32 v14, v13;
	v14 =	vmul.f32 v15, v9;
	_ =	sdelay $0x1  }
0x1ed: {  	v13 =	vadd.f32 v14, v13;
	v14 =	vmul.f32 v16, v12;
	_ =	sdelay $0x1  }
.Ltmp5:
0x1ee: {  	v13 =	vadd.f32 v14, v13;
	(pc) =	sbr.rel @p0 .LBB2_13-.Ltmp5, $4  }
0x1ef: {  	_ = 	snop  }
0x1f0: {  	[tilespmem:v7+s24+$0xFFFFFFF0 ss:$0x1] =	vst.idx.msk $0xffff, v13  }
0x1f1: {  	v13 =	vld.idx.msk [tilespmem:v0+s24+$0x0 ss:$0x1], $0xffff  }
0x1f2: {  	v14 =	vld.idx.msk [tilespmem:v1+s24+$0x0 ss:$0x1], $0xffff  }
0x1f3: {  	_ =	sdelay $0x3  }
0x1f4: {  	v0 =	vld.idx.msk [tilespmem:v3+s24+$0x0 ss:$0x1], $0xffff;
	_ =	sdelay $0x1  }
0x1f5: {  	v1 =	vld.idx.msk [tilespmem:v5+s24+$0x0 ss:$0x1], $0xffff  }
0x1f6: {  	v2 =	vmul.f32 v13, v10;
	v63 =	vmul.f32 v14, v11;
	_ =	sdelay $0x1  }
0x1f7: {  	s23 =	sadd.s32 $0x1, s23;
	v0 =	vmul.f32 v0, v9;
	v2 =	vadd.f32 v63, v2  }
0x1f8: {  	p0 =	sne.s32 s23, $0x8  }
.Ltmp6:
0x1f9: {  	v1 =	vmul.f32 v1, v12;
	v0 =	vadd.f32 v0, v2;
	(pc) =	sbr.rel @p0 .LBB2_12-.Ltmp6, $4  }
0x1fa: {  	_ = 	snop  }
0x1fb: {  	v0 =	vadd.f32 v1, v0  }
0x1fc: {  	s21 =	sadd.s32 $0x600, s21;
	s22 =	sadd.s32 $0x600, s22  }
0x1fd: {  	s10 =	sadd.s32 $0x600, s10;
	s5 =	sadd.s32 $0x600, s5;
	s12 =	sadd.s32 $0x600, s12;
	[tilespmem:v7+s24+$0x0 ss:$0x1] =	vst.idx.msk $0xffff, v0  }
0x1fe: {  	s3 =	rddreg [dreg:$0x7];
	s5 =	simm.s32 $0x18800  }
0x1ff: {  	[hbm4b:s3+s26] =	stream.linear.scatter [tilespmem:s5], [sflag:$0xD], $0x3000, $0x38;
	[tilespmem:$0x1E800] =	vst v63  }
0x200: {  	_ =	swait.ge [sflag:s11], $0x3000  }
0x201: {  	s29 =	rddreg [dreg:$0x9]  }
0x202: {  	s30 =	rddreg [dreg:$0x8];
	s5 =	sadd.s32 $0x1, s29  }
0x203: {  	p0 =	sne.s32 s5, s30  }
.Ltmp7:
0x204: {  	_ = 	snop;
	(pc) =	sbr.rel @p0 .LBB2_1-.Ltmp7, $3  }
0x205: {  	_ =	sdelay $0x1  }
0x206: {  	[sflag:s11] =	ssyncset.done $0x0  }
0x207: {  	[sflag:s11] =	ssyncadd.s32 $0xFFFFD000  }
0x208: {  	_ =	sfence.sel $0x180000  }
0x209: {  	[bflag:$0x0] =	sbarrier.arrive $0xFFFF  }
0x20a: {  	_ =	strace $0x90000047  }
0x20b: {  	s0 =	stileid.u32;
	[bflag:$0x2] =	sbarrier.arrive $0xFFFF  }
0x20c: {  	p0 =	sne.s32 s0, $0x0;
	s0 =	rddreg [dreg:$0x2]  }
0x20d: {  	s0 =	sadd.s32 @!p0 $0x100000, s0  }
0x20e: {  	[sflag:s0] =	ssyncadd.tile.s32 @!p0 $0x1;
	_ =	shalt  }
.Lfunc_end2:
_tile_overlayer_lowered:
.L_overlay_start_2:
0x20f: {  	(tag) =	ssettag $0x2  }
0x210: {  	s0 =	rddreg [dreg:$0x0];
	s2 =	stileid.u32  }
0x211: {  	s1 =	rddreg [dreg:$0x1];
	p0 =	sne.s32 s2, $0x0  }
0x212: {  	s3 =	rddreg [dreg:$0x2];
	[bflag:$0x3] =	sbarrier.arrive $0xFFFF;
	s2 =	simm.s32 @!p0 $0x1C0D  }
0x213: {  	[timem:s3], [sflag:s2] =	dma.local @!p0 [hbm:s0], s1  }
0x214: {  	s0 =	simm.s32 @!p0 $0xD  }
0x215: {  	_ =	swait.ge @!p0 [sflag:s0], s1  }
0x216: {  	s1 =	ssub.s32 @!p0 $0x0, s1;
	[sflag:s0] =	ssyncset.done @!p0 $0x0  }
0x217: {  	[sflag:s0] =	ssyncadd.s32 @!p0 s1  }
0x218: {  	[bflag:$0x3] =	sbarrier.arrive $0xFFFF  }
0x219: {  	_ =	shalt  }

</sc_bundles>
